<compile_context>
chip_gen: v7x
topology: tpu7x:2x2x1
jax: 0.10.2.dev20260603
libtpu: 0.0.44.dev20260713+nightly
codegen_flags: <defaults>
</compile_context>

<pallas_src>
import functools

import jax
import jax.numpy as jnp
from jax import lax
from jax.experimental import pallas as pl
from jax.experimental.pallas import tpu as pltpu
from jax.experimental.pallas import tpu_sc as plsc

K = 4
N = 262144
NV = 3
RES = 256
HW = RES * RES
KV = K * NV
_AXES = [(0, 1, 2), (2, 1, 0), (0, 2, 1)]

_R = 512
_SLAB = 64
_WROWS = 64

NC = 2
NS = 16


def _project_kernel(p_ref, idx_ref, val_ref):
    for vi in range(NV):
        u_ax, v_ax, d_ax = _AXES[vi]
        u = p_ref[0, u_ax] * float(RES - 1)
        v = p_ref[0, v_ax] * float(RES - 1)
        d = p_ref[0, d_ax]
        u0i = jnp.clip(u.astype(jnp.int32), 0, RES - 2)
        v0i = jnp.clip(v.astype(jnp.int32), 0, RES - 2)
        wu1 = jnp.clip(u - u0i.astype(jnp.float32), 0.0, 1.0)
        wv1 = jnp.clip(v - v0i.astype(jnp.float32), 0.0, 1.0)
        wu0 = 1.0 - wu1
        wv0 = 1.0 - wv1
        c00 = v0i * RES + u0i
        idx_ref[vi, 0] = c00
        idx_ref[vi, 1] = c00 + 1
        idx_ref[vi, 2] = c00 + RES
        idx_ref[vi, 3] = c00 + (RES + 1)
        w00 = wv0 * wu0
        w01 = wv0 * wu1
        w10 = wv1 * wu0
        w11 = wv1 * wu1
        val_ref[2 * vi, 0] = w00
        val_ref[2 * vi, 1] = w01
        val_ref[2 * vi, 2] = w10
        val_ref[2 * vi, 3] = w11
        val_ref[2 * vi + 1, 0] = d * w00
        val_ref[2 * vi + 1, 1] = d * w01
        val_ref[2 * vi + 1, 2] = d * w10
        val_ref[2 * vi + 1, 3] = d * w11


def _run_project(p):
    grid = (K, _R // _SLAB)
    return pl.pallas_call(
        _project_kernel,
        grid=grid,
        in_specs=[pl.BlockSpec((1, 3, _SLAB, _R), lambda i, j: (i, 0, j, 0))],
        out_specs=[
            pl.BlockSpec((NV, 4, _SLAB, _R), lambda i, j: (i, 0, j, 0)),
            pl.BlockSpec((2 * NV, 4, _SLAB, _R), lambda i, j: (i, 0, j, 0)),
        ],
        out_shape=[
            jax.ShapeDtypeStruct((KV, 4, _R, _R), jnp.int32),
            jax.ShapeDtypeStruct((2 * KV, 4, _R, _R), jnp.float32),
        ],
        compiler_params=pltpu.CompilerParams(
            dimension_semantics=("parallel", "parallel")),
    )(p)


_NTASK = 96
_TPT = 3
_WIN = 64
_ROWS_PER_TASK = N // 128
_GR = HW // 128


def _make_sc_scatter():
    mesh = plsc.VectorSubcoreMesh(core_axis_name="c", subcore_axis_name="s",
                                  num_cores=NC, num_subcores=NS)
    scratch = [
        pltpu.VMEM((_GR, 128), jnp.float32),
        pltpu.VMEM((_WIN, 128), jnp.int32),
        pltpu.VMEM((_WIN, 128), jnp.int32),
        pltpu.VMEM((_WIN, 128), jnp.float32),
        pltpu.VMEM((_WIN, 128), jnp.float32),
        pltpu.SemaphoreType.DMA,
        pltpu.SemaphoreType.DMA,
        pltpu.SemaphoreType.DMA,
    ]
    nwin = _ROWS_PER_TASK // _WIN

    @functools.partial(
        pl.kernel,
        mesh=mesh,
        out_type=jax.ShapeDtypeStruct((_NTASK * _GR, 128), jnp.float32),
        scratch_types=scratch,
        compiler_params=pltpu.CompilerParams(needs_layout_passes=False),
    )
    def sc_scatter(idx_hbm, val_hbm, zeros_hbm, out_hbm, grid_v, idx_b0,
                   idx_b1, val_b0, val_b1, sem0, sem1, semz):
        cid = lax.axis_index("c")
        sid = lax.axis_index("s")
        wid = sid * NC + cid
        idx_bufs = (idx_b0, idx_b1)
        val_bufs = (val_b0, val_b1)
        sems = (sem0, sem1)

        @pl.loop(0, _TPT)
        def _task(t):
            task = wid * _TPT + t
            pair = task // 8
            arr = (task // 4) % 2
            q = task % 4
            idx_row0 = pair * (4 * N // 128) + q * _ROWS_PER_TASK
            val_row0 = (2 * pair + arr) * (4 * N // 128) + q * _ROWS_PER_TASK
            pltpu.async_copy(zeros_hbm, grid_v, semz)
            pltpu.async_copy(idx_hbm.at[pl.ds(idx_row0, _WIN)], idx_b0,
                             sem0)
            pltpu.async_copy(val_hbm.at[pl.ds(val_row0, _WIN)], val_b0,
                             sem0)
            pltpu.make_async_copy(zeros_hbm, grid_v, semz).wait()

            @pl.loop(0, nwin // 2)
            def _w2(w2):
                for b in range(2):
                    w = 2 * w2 + b
                    nb = 1 - b

                    @pl.when(w < nwin - 1)
                    def _prefetch():
                        r0 = (w + 1) * _WIN
                        pltpu.async_copy(
                            idx_hbm.at[pl.ds(idx_row0 + r0, _WIN)],
                            idx_bufs[nb], sems[nb])
                        pltpu.async_copy(
                            val_hbm.at[pl.ds(val_row0 + r0, _WIN)],
                            val_bufs[nb], sems[nb])

                    pltpu.make_async_copy(
                        idx_hbm.at[pl.ds(idx_row0, _WIN)], idx_bufs[b],
                        sems[b]).wait()
                    pltpu.make_async_copy(
                        val_hbm.at[pl.ds(val_row0, _WIN)], val_bufs[b],
                        sems[b]).wait()

                    @pl.loop(0, _WIN)
                    def _row(i):
                        idxs = [idx_bufs[b][i, pl.ds(c * 16, 16)]
                                for c in range(8)]
                        vals = [val_bufs[b][i, pl.ds(c * 16, 16)]
                                for c in range(8)]
                        for c in range(8):
                            plsc.addupdate_scatter(
                                grid_v, [idxs[c] >> 7, idxs[c] & 127],
                                vals[c])

            pltpu.sync_copy(
                grid_v, out_hbm.at[pl.ds(task * _GR, _GR)])

    return sc_scatter


_make_sc_scatter = functools.cache(_make_sc_scatter)


def _finalize_kernel(cnt_ref, dw_ref, img_ref, cnt_out_ref):
    cnt = cnt_ref[0, 0].sum(axis=0)
    dw = dw_ref[0, 1].sum(axis=0)
    img_ref[0, 0] = dw / jnp.maximum(cnt, 1e-6)
    img_ref[0, 1] = (cnt > 0).astype(jnp.float32)
    cnt_out_ref[0] = cnt


def _run_finalize(acc):
    in_spec = pl.BlockSpec((1, 2, 4, _R, 128), lambda i: (i, 0, 0, 0, 0))
    return pl.pallas_call(
        _finalize_kernel,
        grid=(KV,),
        in_specs=[in_spec, in_spec],
        out_specs=[
            pl.BlockSpec((1, 2, _R, 128), lambda i: (i, 0, 0, 0)),
            pl.BlockSpec((1, _R, 128), lambda i: (i, 0, 0)),
        ],
        out_shape=[
            jax.ShapeDtypeStruct((KV, 2, _R, 128), jnp.float32),
            jax.ShapeDtypeStruct((KV, _R, 128), jnp.float32),
        ],
    )(acc, acc)


def kernel(frag_list):
    cents = []
    scales = []
    for k in range(K):
        pts = frag_list[k]
        centroid = pts.mean(axis=0, keepdims=True)
        cents.append(centroid)
        scales.append(jnp.maximum(jnp.max(jnp.abs(pts - centroid)), 1e-6))
    cent = jnp.stack(cents, axis=0)
    scale = jnp.stack(scales, axis=0)[:, None, None]
    pts01 = ((frag_list - cent) / scale * 0.95 + 0.95) / 1.9
    p = pts01.transpose(0, 2, 1).reshape(K, 3, _R, _R)

    scat_idx, scat_val = _run_project(p)

    acc_flat = _make_sc_scatter()(
        scat_idx.reshape(KV * 4 * N // 128, 128),
        scat_val.reshape(2 * KV * 4 * N // 128, 128),
        jnp.zeros((_GR, 128), jnp.float32),
    )
    acc = acc_flat.reshape(KV, 2, 4, _R, 128)

    images_flat, counts_flat = _run_finalize(acc)
    images = images_flat.reshape(K, NV, 2, RES, RES)
    counts = counts_flat.reshape(K, NV, HW)

    pix_corners = scat_idx.reshape(K, NV, 4, N).transpose(0, 3, 1, 2)
    pix_weights = (scat_val.reshape(KV, 2, 4, N)[:, 0]
                   .reshape(K, NV, 4, N).transpose(0, 3, 1, 2))
    return images, pix_corners, pix_weights, counts

# --- scband reference (transcript-rebuilt; emitter-appended) ---
"""Pipeline reference for scband-project3-dto2-d-54623394071299 (READ-ONLY COPY).

The authoritative reference and input builder live on the scoring server;
editing this copy changes nothing except your own understanding.
"""

import jax, jax.numpy as jnp
import numpy as np

_VIEW_AXES = [(0, 1, 2), (2, 1, 0), (0, 2, 1)]
RES = 256
NUM_VIEWS = 3


def setup_inputs(seed: int = 0) -> dict:
    key = jax.random.key(seed)
    frag_list = jax.random.normal(key, (4, 262144, 3), dtype=jnp.float32)
    return {"frag_list": frag_list}


def _normalize_fragment(pts):
    centroid = pts.mean(axis=0, keepdims=True)
    pts = pts - centroid
    scale = jnp.maximum(jnp.max(jnp.abs(pts)), 1e-6)
    return pts / scale * 0.95


def _project_one(pts):
    N = pts.shape[0]
    H = W = RES
    pts_n = _normalize_fragment(pts)
    imgs = []
    crns = []
    wgts = []
    cnts = []
    for v in range(NUM_VIEWS):
        u_ax, v_ax, d_ax = _VIEW_AXES[v]
        u_f = (pts_n[:, u_ax] + 0.95) / 1.9 * (W - 1)
        v_f = (pts_n[:, v_ax] + 0.95) / 1.9 * (H - 1)
        # bilinear 4-corner projection (use_bilinear=True)
        u0 = jnp.clip(u_f.astype(jnp.int32), 0, W - 2)
        u1 = u0 + 1
        v0 = jnp.clip(v_f.astype(jnp.int32), 0, H - 2)
        v1 = v0 + 1
        wu1 = jnp.clip(u_f - u0.astype(jnp.float32), 0.0, 1.0)
        wu0 = 1.0 - wu1
        wv1 = jnp.clip(v_f - v0.astype(jnp.float32), 0.0, 1.0)
        wv0 = 1.0 - wv1
        corners = jnp.stack([v0 * W + u0, v0 * W + u1, v1 * W + u0, v1 * W + u1], axis=1)
        weights = jnp.stack([wv0 * wu0, wv0 * wu1, wv1 * wu0, wv1 * wu1], axis=1)
        flat_c = corners.reshape(-1)
        w_flat = weights.reshape(-1)
        cnt = jnp.zeros((H * W,), jnp.float32).at[flat_c].add(w_flat)
        depth_norm = (pts_n[:, d_ax] + 0.95) / 1.9
        depth_rep = jnp.broadcast_to(depth_norm[:, None], (N, 4)).reshape(-1)
        depth_acc = jnp.zeros((H * W,), jnp.float32).at[flat_c].add(depth_rep * w_flat)
        ch0 = (depth_acc / jnp.maximum(cnt, 1e-6)).reshape(H, W)
        ch1 = (cnt > 0).astype(jnp.float32).reshape(H, W)
        imgs.append(jnp.stack([ch0, ch1], axis=0))
        crns.append(corners)
        wgts.append(weights)
        cnts.append(cnt)
    images = jnp.stack(imgs, axis=0)               # (V, C, H, W)
    pix_corners = jnp.stack(crns, axis=1)          # (N, V, 4)
    pix_weights = jnp.stack(wgts, axis=1)          # (N, V, 4)
    count_flat = jnp.stack(cnts, axis=0)           # (V, H*W)
    return images, pix_corners, pix_weights, count_flat


def reference(frag_list):
    # frag_list: (K, N, 3); iterating the torch list-of-tensors is equivalent
    # to iterating the leading axis here (all fragments share N).
    K = frag_list.shape[0]
    outs = [_project_one(frag_list[k]) for k in range(K)]
    images = jnp.stack([o[0] for o in outs], axis=0)       # (K, V, C, H, W)
    pix_corners = jnp.stack([o[1] for o in outs], axis=0)  # (K, N, V, 4)
    pix_weights = jnp.stack([o[2] for o in outs], axis=0)  # (K, N, V, 4)
    counts = jnp.stack([o[3] for o in outs], axis=0)       # (K, V, H*W)
    return images, pix_corners, pix_weights, counts

if __name__ == "__main__":
    import jax
    _d = setup_inputs()
    print(jax.jit(kernel)(*tuple(_d.values())))

</pallas_src>

<mosaic_0001>
#map = affine_map<(d0, d1) -> (0, 0)>
module attributes {stable_mosaic.version = 14 : i64} {
  func.func @sc_scatter(%arg0: i32, %arg1: i32, %arg2: memref<98304x128xi32, #tpu.memory_space<hbm>>, %arg3: memref<196608x128xf32, #tpu.memory_space<hbm>>, %arg4: memref<512x128xf32, #tpu.memory_space<hbm>>, %arg5: memref<49152x128xf32, #tpu.memory_space<hbm>>, %arg6: memref<512x128xf32, #tpu.memory_space<vmem>>, %arg7: memref<64x128xi32, #tpu.memory_space<vmem>>, %arg8: memref<64x128xi32, #tpu.memory_space<vmem>>, %arg9: memref<64x128xf32, #tpu.memory_space<vmem>>, %arg10: memref<64x128xf32, #tpu.memory_space<vmem>>, %arg11: memref<!tpu.dma_semaphore, #tpu.memory_space<semaphore_mem>>, %arg12: memref<!tpu.dma_semaphore, #tpu.memory_space<semaphore_mem>>, %arg13: memref<!tpu.dma_semaphore, #tpu.memory_space<semaphore_mem>>) attributes {dimension_semantics = [#tpu.dimension_semantics<core_parallel>, #tpu.dimension_semantics<subcore_parallel>], iteration_bounds = array<i64: 2, 16>, scalar_prefetch = 0 : i64, scratch_operands = 8 : i64, tpu.core_type = #tpu.core_type<sc_vector_subcore>, window_params = [{transform_indices = #map}, {transform_indices = #map}, {transform_indices = #map}, {transform_indices = #map}]} {
    %mul3A = arith.constant 2 : i32
    %mul3A_0 = arith.muli %arg1, %mul3A : i32
    %add3A = arith.addi %mul3A_0, %arg0 : i32
    %scan3A = arith.constant 0 : i32
    %scan3A_1 = arith.constant 3 : i32
    %scan3A_2 = arith.addi %scan3A, %scan3A_1 : i32
    %scan3A_3 = arith.constant 1 : i32
    scf.for %scan3A_5 = %scan3A to %scan3A_2 step %scan3A_3  : i32 {
      %mul3A_6 = arith.constant 1 : i32
      %mul3A_7 = arith.muli %scan3A_5, %mul3A_6 : i32
      %add3A_8 = arith.constant 0 : i32
      %add3A_9 = arith.addi %add3A_8, %mul3A_7 : i32
      %mul3A_10 = arith.constant 3 : i32
      %mul3A_11 = arith.muli %add3A, %mul3A_10 : i32
      %add3A_12 = arith.addi %mul3A_11, %add3A_9 : i32
      %jit3A = arith.constant 8 : i32
      %div3A = arith.divsi %add3A_12, %jit3A : i32
      %sign3A = arith.constant 0 : i32
      %sign3A_13 = arith.cmpi sgt, %add3A_12, %sign3A : i32
      %sign3A_14 = arith.extui %sign3A_13 : i1 to i32
      %sign3A_15 = arith.constant 0 : i32
      %sign3A_16 = arith.cmpi slt, %add3A_12, %sign3A_15 : i32
      %sign3A_17 = arith.extui %sign3A_16 : i1 to i32
      %sign3A_18 = arith.subi %sign3A_14, %sign3A_17 : i32
      %sign3A_19 = arith.constant 0 : i32
      %sign3A_20 = arith.cmpi sgt, %jit3A, %sign3A_19 : i32
      %sign3A_21 = arith.extui %sign3A_20 : i1 to i32
      %sign3A_22 = arith.constant 0 : i32
      %sign3A_23 = arith.cmpi slt, %jit3A, %sign3A_22 : i32
      %sign3A_24 = arith.extui %sign3A_23 : i1 to i32
      %sign3A_25 = arith.subi %sign3A_21, %sign3A_24 : i32
      %ne3A = arith.cmpi ne, %sign3A_18, %sign3A_25 : i32
      %rem3A = arith.remsi %add3A_12, %jit3A : i32
      %ne3A_26 = arith.constant 0 : i32
      %ne3A_27 = arith.cmpi ne, %rem3A, %ne3A_26 : i32
      %and3A = arith.andi %ne3A, %ne3A_27 : i1
      %sub3A = arith.constant 1 : i32
      %sub3A_28 = arith.subi %div3A, %sub3A : i32
      %select_n3A = arith.select %and3A, %sub3A_28, %div3A : i32
      %jit3A_29 = arith.constant 4 : i32
      %div3A_30 = arith.divsi %add3A_12, %jit3A_29 : i32
      %sign3A_31 = arith.constant 0 : i32
      %sign3A_32 = arith.cmpi sgt, %add3A_12, %sign3A_31 : i32
      %sign3A_33 = arith.extui %sign3A_32 : i1 to i32
      %sign3A_34 = arith.constant 0 : i32
      %sign3A_35 = arith.cmpi slt, %add3A_12, %sign3A_34 : i32
      %sign3A_36 = arith.extui %sign3A_35 : i1 to i32
      %sign3A_37 = arith.subi %sign3A_33, %sign3A_36 : i32
      %sign3A_38 = arith.constant 0 : i32
      %sign3A_39 = arith.cmpi sgt, %jit3A_29, %sign3A_38 : i32
      %sign3A_40 = arith.extui %sign3A_39 : i1 to i32
      %sign3A_41 = arith.constant 0 : i32
      %sign3A_42 = arith.cmpi slt, %jit3A_29, %sign3A_41 : i32
      %sign3A_43 = arith.extui %sign3A_42 : i1 to i32
      %sign3A_44 = arith.subi %sign3A_40, %sign3A_43 : i32
      %ne3A_45 = arith.cmpi ne, %sign3A_37, %sign3A_44 : i32
      %rem3A_46 = arith.remsi %add3A_12, %jit3A_29 : i32
      %ne3A_47 = arith.constant 0 : i32
      %ne3A_48 = arith.cmpi ne, %rem3A_46, %ne3A_47 : i32
      %and3A_49 = arith.andi %ne3A_45, %ne3A_48 : i1
      %sub3A_50 = arith.constant 1 : i32
      %sub3A_51 = arith.subi %div3A_30, %sub3A_50 : i32
      %select_n3A_52 = arith.select %and3A_49, %sub3A_51, %div3A_30 : i32
      %jit3A_53 = arith.constant 2 : i32
      %eq3A = arith.constant 0 : i32
      %eq3A_54 = arith.cmpi eq, %jit3A_53, %eq3A : i32
      %jit3A_55 = arith.constant 1 : i32
      %select_n3A_56 = arith.select %eq3A_54, %jit3A_55, %jit3A_53 : i32
      %rem3A_57 = arith.remsi %select_n3A_52, %select_n3A_56 : i32
      %ne3A_58 = arith.constant 0 : i32
      %ne3A_59 = arith.cmpi ne, %rem3A_57, %ne3A_58 : i32
      %lt3A = arith.constant 0 : i32
      %lt3A_60 = arith.cmpi slt, %rem3A_57, %lt3A : i32
      %lt3A_61 = arith.constant 0 : i32
      %lt3A_62 = arith.cmpi slt, %select_n3A_56, %lt3A_61 : i32
      %ne3A_63 = arith.xori %lt3A_60, %lt3A_62 : i1
      %and3A_64 = arith.andi %ne3A_63, %ne3A_59 : i1
      %add3A_65 = arith.addi %rem3A_57, %select_n3A_56 : i32
      %select_n3A_66 = arith.select %and3A_64, %add3A_65, %rem3A_57 : i32
      %jit3A_67 = arith.constant 4 : i32
      %eq3A_68 = arith.constant 0 : i32
      %eq3A_69 = arith.cmpi eq, %jit3A_67, %eq3A_68 : i32
      %jit3A_70 = arith.constant 1 : i32
      %select_n3A_71 = arith.select %eq3A_69, %jit3A_70, %jit3A_67 : i32
      %rem3A_72 = arith.remsi %add3A_12, %select_n3A_71 : i32
      %ne3A_73 = arith.constant 0 : i32
      %ne3A_74 = arith.cmpi ne, %rem3A_72, %ne3A_73 : i32
      %lt3A_75 = arith.constant 0 : i32
      %lt3A_76 = arith.cmpi slt, %rem3A_72, %lt3A_75 : i32
      %lt3A_77 = arith.constant 0 : i32
      %lt3A_78 = arith.cmpi slt, %select_n3A_71, %lt3A_77 : i32
      %ne3A_79 = arith.xori %lt3A_76, %lt3A_78 : i1
      %and3A_80 = arith.andi %ne3A_79, %ne3A_74 : i1
      %add3A_81 = arith.addi %rem3A_72, %select_n3A_71 : i32
      %select_n3A_82 = arith.select %and3A_80, %add3A_81, %rem3A_72 : i32
      %mul3A_83 = arith.constant 8192 : i32
      %mul3A_84 = arith.muli %select_n3A, %mul3A_83 : i32
      %mul3A_85 = arith.constant 2048 : i32
      %mul3A_86 = arith.muli %select_n3A_82, %mul3A_85 : i32
      %add3A_87 = arith.addi %mul3A_84, %mul3A_86 : i32
      %mul3A_88 = arith.constant 2 : i32
      %mul3A_89 = arith.muli %mul3A_88, %select_n3A : i32
      %add3A_90 = arith.addi %mul3A_89, %select_n3A_66 : i32
      %mul3A_91 = arith.constant 8192 : i32
      %mul3A_92 = arith.muli %add3A_90, %mul3A_91 : i32
      %mul3A_93 = arith.constant 2048 : i32
      %mul3A_94 = arith.muli %select_n3A_82, %mul3A_93 : i32
      %add3A_95 = arith.addi %mul3A_92, %mul3A_94 : i32
      tpu.enqueue_dma source(%arg4 : memref<512x128xf32, #tpu.memory_space<hbm>>) target(%arg6 : memref<512x128xf32, #tpu.memory_space<vmem>>) target_semaphore(%arg13 : memref<!tpu.dma_semaphore, #tpu.memory_space<semaphore_mem>>)
      %dma_start3A = arith.constant 0 : i32
      %dma_start3A_96 = tpu.memref_slice %arg2[%add3A_87, %dma_start3A] : memref<98304x128xi32, #tpu.memory_space<hbm>> -> memref<64x128xi32, #tpu.memory_space<hbm>>
      %dma_start3A_97 = arith.constant 0 : i32
      %dma_start3A_98 = tpu.memref_slice %arg2[%add3A_87, %dma_start3A_97] : memref<98304x128xi32, #tpu.memory_space<hbm>> -> memref<64x128xi32, #tpu.memory_space<hbm>>
      tpu.enqueue_dma source(%dma_start3A_98 : memref<64x128xi32, #tpu.memory_space<hbm>>) target(%arg7 : memref<64x128xi32, #tpu.memory_space<vmem>>) target_semaphore(%arg11 : memref<!tpu.dma_semaphore, #tpu.memory_space<semaphore_mem>>)
      %dma_start3A_99 = arith.constant 0 : i32
      %dma_start3A_100 = tpu.memref_slice %arg3[%add3A_95, %dma_start3A_99] : memref<196608x128xf32, #tpu.memory_space<hbm>> -> memref<64x128xf32, #tpu.memory_space<hbm>>
      %dma_start3A_101 = arith.constant 0 : i32
      %dma_start3A_102 = tpu.memref_slice %arg3[%add3A_95, %dma_start3A_101] : memref<196608x128xf32, #tpu.memory_space<hbm>> -> memref<64x128xf32, #tpu.memory_space<hbm>>
      tpu.enqueue_dma source(%dma_start3A_102 : memref<64x128xf32, #tpu.memory_space<hbm>>) target(%arg9 : memref<64x128xf32, #tpu.memory_space<vmem>>) target_semaphore(%arg11 : memref<!tpu.dma_semaphore, #tpu.memory_space<semaphore_mem>>)
      tpu.wait_dma2 semaphore(%arg13 : memref<!tpu.dma_semaphore, #tpu.memory_space<semaphore_mem>>) src(%arg4 : memref<512x128xf32, #tpu.memory_space<hbm>>) dst(%arg6 : memref<512x128xf32, #tpu.memory_space<vmem>>)
      %scan3A_103 = arith.constant 0 : i32
      %scan3A_104 = arith.constant 16 : i32
      %scan3A_105 = arith.addi %scan3A_103, %scan3A_104 : i32
      %scan3A_106 = arith.constant 1 : i32
      scf.for %scan3A_110 = %scan3A_103 to %scan3A_105 step %scan3A_106  : i32 {
        %mul3A_111 = arith.constant 1 : i32
        %mul3A_112 = arith.muli %scan3A_110, %mul3A_111 : i32
        %add3A_113 = arith.constant 0 : i32
        %add3A_114 = arith.addi %add3A_113, %mul3A_112 : i32
        %mul3A_115 = arith.constant 2 : i32
        %mul3A_116 = arith.muli %mul3A_115, %add3A_114 : i32
        %add3A_117 = arith.constant 0 : i32
        %add3A_118 = arith.addi %mul3A_116, %add3A_117 : i32
        %lt3A_119 = arith.constant 31 : i32
        %lt3A_120 = arith.cmpi slt, %add3A_118, %lt3A_119 : i32
        %convert_element_type3A = arith.extui %lt3A_120 : i1 to i32
        %cond3A = arith.constant 0 : i32
        %cond3A_121 = arith.cmpi ne, %convert_element_type3A, %cond3A : i32
        scf.if %cond3A_121 {
          %add3A_156 = arith.constant 1 : i32
          %add3A_157 = arith.addi %add3A_118, %add3A_156 : i32
          %mul3A_158 = arith.constant 64 : i32
          %mul3A_159 = arith.muli %add3A_157, %mul3A_158 : i32
          %add3A_160 = arith.addi %add3A_87, %mul3A_159 : i32
          %dma_start3A_161 = arith.constant 0 : i32
          %dma_start3A_162 = tpu.memref_slice %arg2[%add3A_160, %dma_start3A_161] : memref<98304x128xi32, #tpu.memory_space<hbm>> -> memref<64x128xi32, #tpu.memory_space<hbm>>
          %dma_start3A_163 = arith.constant 0 : i32
          %dma_start3A_164 = tpu.memref_slice %arg2[%add3A_160, %dma_start3A_163] : memref<98304x128xi32, #tpu.memory_space<hbm>> -> memref<64x128xi32, #tpu.memory_space<hbm>>
          tpu.enqueue_dma source(%dma_start3A_164 : memref<64x128xi32, #tpu.memory_space<hbm>>) target(%arg8 : memref<64x128xi32, #tpu.memory_space<vmem>>) target_semaphore(%arg12 : memref<!tpu.dma_semaphore, #tpu.memory_space<semaphore_mem>>)
          %add3A_165 = arith.addi %add3A_95, %mul3A_159 : i32
          %dma_start3A_166 = arith.constant 0 : i32
          %dma_start3A_167 = tpu.memref_slice %arg3[%add3A_165, %dma_start3A_166] : memref<196608x128xf32, #tpu.memory_space<hbm>> -> memref<64x128xf32, #tpu.memory_space<hbm>>
          %dma_start3A_168 = arith.constant 0 : i32
          %dma_start3A_169 = tpu.memref_slice %arg3[%add3A_165, %dma_start3A_168] : memref<196608x128xf32, #tpu.memory_space<hbm>> -> memref<64x128xf32, #tpu.memory_space<hbm>>
          tpu.enqueue_dma source(%dma_start3A_169 : memref<64x128xf32, #tpu.memory_space<hbm>>) target(%arg10 : memref<64x128xf32, #tpu.memory_space<vmem>>) target_semaphore(%arg12 : memref<!tpu.dma_semaphore, #tpu.memory_space<semaphore_mem>>)
        } else {
        }
        %dma_wait3A = arith.constant 0 : i32
        %dma_wait3A_122 = tpu.memref_slice %arg2[%add3A_87, %dma_wait3A] : memref<98304x128xi32, #tpu.memory_space<hbm>> -> memref<64x128xi32, #tpu.memory_space<hbm>>
        %dma_wait3A_123 = arith.constant 0 : i32
        %dma_wait3A_124 = tpu.memref_slice %arg2[%add3A_87, %dma_wait3A_123] : memref<98304x128xi32, #tpu.memory_space<hbm>> -> memref<64x128xi32, #tpu.memory_space<hbm>>
        tpu.wait_dma2 semaphore(%arg11 : memref<!tpu.dma_semaphore, #tpu.memory_space<semaphore_mem>>) src(%dma_wait3A_124 : memref<64x128xi32, #tpu.memory_space<hbm>>) dst(%arg7 : memref<64x128xi32, #tpu.memory_space<vmem>>)
        %dma_wait3A_125 = arith.constant 0 : i32
        %dma_wait3A_126 = tpu.memref_slice %arg3[%add3A_95, %dma_wait3A_125] : memref<196608x128xf32, #tpu.memory_space<hbm>> -> memref<64x128xf32, #tpu.memory_space<hbm>>
        %dma_wait3A_127 = arith.constant 0 : i32
        %dma_wait3A_128 = tpu.memref_slice %arg3[%add3A_95, %dma_wait3A_127] : memref<196608x128xf32, #tpu.memory_space<hbm>> -> memref<64x128xf32, #tpu.memory_space<hbm>>
        tpu.wait_dma2 semaphore(%arg11 : memref<!tpu.dma_semaphore, #tpu.memory_space<semaphore_mem>>) src(%dma_wait3A_128 : memref<64x128xf32, #tpu.memory_space<hbm>>) dst(%arg9 : memref<64x128xf32, #tpu.memory_space<vmem>>)
        %scan3A_129 = arith.constant 0 : i32
        %scan3A_130 = arith.constant 64 : i32
        %scan3A_131 = arith.addi %scan3A_129, %scan3A_130 : i32
        %scan3A_132 = arith.constant 1 : i32
        scf.for %scan3A_156 = %scan3A_129 to %scan3A_131 step %scan3A_132  : i32 {
          %mul3A_157 = arith.constant 1 : i32
          %mul3A_158 = arith.muli %scan3A_156, %mul3A_157 : i32
          %add3A_159 = arith.constant 0 : i32
          %add3A_160 = arith.addi %add3A_159, %mul3A_158 : i32
          %get3A = arith.index_cast %add3A_160 : i32 to index
          %get3A_161 = arith.constant 0 : index
          %get3A_162 = tpu.vector_load %arg7[%get3A, %get3A_161] {strides = array<i32>} : memref<64x128xi32, #tpu.memory_space<vmem>>, vector<16xi32>,
          %get3A_163 = arith.index_cast %add3A_160 : i32 to index
          %get3A_164 = arith.constant 16 : index
          %get3A_165 = tpu.vector_load %arg7[%get3A_163, %get3A_164] {strides = array<i32>} : memref<64x128xi32, #tpu.memory_space<vmem>>, vector<16xi32>,
          %get3A_166 = arith.index_cast %add3A_160 : i32 to index
          %get3A_167 = arith.constant 32 : index
          %get3A_168 = tpu.vector_load %arg7[%get3A_166, %get3A_167] {strides = array<i32>} : memref<64x128xi32, #tpu.memory_space<vmem>>, vector<16xi32>,
          %get3A_169 = arith.index_cast %add3A_160 : i32 to index
          %get3A_170 = arith.constant 48 : index
          %get3A_171 = tpu.vector_load %arg7[%get3A_169, %get3A_170] {strides = array<i32>} : memref<64x128xi32, #tpu.memory_space<vmem>>, vector<16xi32>,
          %get3A_172 = arith.index_cast %add3A_160 : i32 to index
          %get3A_173 = arith.constant 64 : index
          %get3A_174 = tpu.vector_load %arg7[%get3A_172, %get3A_173] {strides = array<i32>} : memref<64x128xi32, #tpu.memory_space<vmem>>, vector<16xi32>,
          %get3A_175 = arith.index_cast %add3A_160 : i32 to index
          %get3A_176 = arith.constant 80 : index
          %get3A_177 = tpu.vector_load %arg7[%get3A_175, %get3A_176] {strides = array<i32>} : memref<64x128xi32, #tpu.memory_space<vmem>>, vector<16xi32>,
          %get3A_178 = arith.index_cast %add3A_160 : i32 to index
          %get3A_179 = arith.constant 96 : index
          %get3A_180 = tpu.vector_load %arg7[%get3A_178, %get3A_179] {strides = array<i32>} : memref<64x128xi32, #tpu.memory_space<vmem>>, vector<16xi32>,
          %get3A_181 = arith.index_cast %add3A_160 : i32 to index
          %get3A_182 = arith.constant 112 : index
          %get3A_183 = tpu.vector_load %arg7[%get3A_181, %get3A_182] {strides = array<i32>} : memref<64x128xi32, #tpu.memory_space<vmem>>, vector<16xi32>,
          %get3A_184 = arith.index_cast %add3A_160 : i32 to index
          %get3A_185 = arith.constant 0 : index
          %get3A_186 = tpu.vector_load %arg9[%get3A_184, %get3A_185] {strides = array<i32>} : memref<64x128xf32, #tpu.memory_space<vmem>>, vector<16xf32>,
          %get3A_187 = arith.index_cast %add3A_160 : i32 to index
          %get3A_188 = arith.constant 16 : index
          %get3A_189 = tpu.vector_load %arg9[%get3A_187, %get3A_188] {strides = array<i32>} : memref<64x128xf32, #tpu.memory_space<vmem>>, vector<16xf32>,
          %get3A_190 = arith.index_cast %add3A_160 : i32 to index
          %get3A_191 = arith.constant 32 : index
          %get3A_192 = tpu.vector_load %arg9[%get3A_190, %get3A_191] {strides = array<i32>} : memref<64x128xf32, #tpu.memory_space<vmem>>, vector<16xf32>,
          %get3A_193 = arith.index_cast %add3A_160 : i32 to index
          %get3A_194 = arith.constant 48 : index
          %get3A_195 = tpu.vector_load %arg9[%get3A_193, %get3A_194] {strides = array<i32>} : memref<64x128xf32, #tpu.memory_space<vmem>>, vector<16xf32>,
          %get3A_196 = arith.index_cast %add3A_160 : i32 to index
          %get3A_197 = arith.constant 64 : index
          %get3A_198 = tpu.vector_load %arg9[%get3A_196, %get3A_197] {strides = array<i32>} : memref<64x128xf32, #tpu.memory_space<vmem>>, vector<16xf32>,
          %get3A_199 = arith.index_cast %add3A_160 : i32 to index
          %get3A_200 = arith.constant 80 : index
          %get3A_201 = tpu.vector_load %arg9[%get3A_199, %get3A_200] {strides = array<i32>} : memref<64x128xf32, #tpu.memory_space<vmem>>, vector<16xf32>,
          %get3A_202 = arith.index_cast %add3A_160 : i32 to index
          %get3A_203 = arith.constant 96 : index
          %get3A_204 = tpu.vector_load %arg9[%get3A_202, %get3A_203] {strides = array<i32>} : memref<64x128xf32, #tpu.memory_space<vmem>>, vector<16xf32>,
          %get3A_205 = arith.index_cast %add3A_160 : i32 to index
          %get3A_206 = arith.constant 112 : index
          %get3A_207 = tpu.vector_load %arg9[%get3A_205, %get3A_206] {strides = array<i32>} : memref<64x128xf32, #tpu.memory_space<vmem>>, vector<16xf32>,
          %shift_right_arithmetic3A = arith.constant 7 : i32
          %shift_right_arithmetic3A_208 = vector.broadcast %shift_right_arithmetic3A : i32 to vector<16xi32>
          %shift_right_arithmetic3A_209 = arith.shrsi %get3A_162, %shift_right_arithmetic3A_208 : vector<16xi32>
          %and3A_210 = arith.constant 127 : i32
          %and3A_211 = vector.broadcast %and3A_210 : i32 to vector<16xi32>
          %and3A_212 = arith.andi %get3A_162, %and3A_211 : vector<16xi32>
          tpu.vector_store_idx %arg6[%shift_right_arithmetic3A_209, %and3A_212], %get3A_186 {add = true} : memref<512x128xf32, #tpu.memory_space<vmem>>[vector<16xi32>, vector<16xi32>], vector<16xf32>,
          %shift_right_arithmetic3A_213 = arith.constant 7 : i32
          %shift_right_arithmetic3A_214 = vector.broadcast %shift_right_arithmetic3A_213 : i32 to vector<16xi32>
          %shift_right_arithmetic3A_215 = arith.shrsi %get3A_165, %shift_right_arithmetic3A_214 : vector<16xi32>
          %and3A_216 = arith.constant 127 : i32
          %and3A_217 = vector.broadcast %and3A_216 : i32 to vector<16xi32>
          %and3A_218 = arith.andi %get3A_165, %and3A_217 : vector<16xi32>
          tpu.vector_store_idx %arg6[%shift_right_arithmetic3A_215, %and3A_218], %get3A_189 {add = true} : memref<512x128xf32, #tpu.memory_space<vmem>>[vector<16xi32>, vector<16xi32>], vector<16xf32>,
          %shift_right_arithmetic3A_219 = arith.constant 7 : i32
          %shift_right_arithmetic3A_220 = vector.broadcast %shift_right_arithmetic3A_219 : i32 to vector<16xi32>
          %shift_right_arithmetic3A_221 = arith.shrsi %get3A_168, %shift_right_arithmetic3A_220 : vector<16xi32>
          %and3A_222 = arith.constant 127 : i32
          %and3A_223 = vector.broadcast %and3A_222 : i32 to vector<16xi32>
          %and3A_224 = arith.andi %get3A_168, %and3A_223 : vector<16xi32>
          tpu.vector_store_idx %arg6[%shift_right_arithmetic3A_221, %and3A_224], %get3A_192 {add = true} : memref<512x128xf32, #tpu.memory_space<vmem>>[vector<16xi32>, vector<16xi32>], vector<16xf32>,
          %shift_right_arithmetic3A_225 = arith.constant 7 : i32
          %shift_right_arithmetic3A_226 = vector.broadcast %shift_right_arithmetic3A_225 : i32 to vector<16xi32>
          %shift_right_arithmetic3A_227 = arith.shrsi %get3A_171, %shift_right_arithmetic3A_226 : vector<16xi32>
          %and3A_228 = arith.constant 127 : i32
          %and3A_229 = vector.broadcast %and3A_228 : i32 to vector<16xi32>
          %and3A_230 = arith.andi %get3A_171, %and3A_229 : vector<16xi32>
          tpu.vector_store_idx %arg6[%shift_right_arithmetic3A_227, %and3A_230], %get3A_195 {add = true} : memref<512x128xf32, #tpu.memory_space<vmem>>[vector<16xi32>, vector<16xi32>], vector<16xf32>,
          %shift_right_arithmetic3A_231 = arith.constant 7 : i32
          %shift_right_arithmetic3A_232 = vector.broadcast %shift_right_arithmetic3A_231 : i32 to vector<16xi32>
          %shift_right_arithmetic3A_233 = arith.shrsi %get3A_174, %shift_right_arithmetic3A_232 : vector<16xi32>
          %and3A_234 = arith.constant 127 : i32
          %and3A_235 = vector.broadcast %and3A_234 : i32 to vector<16xi32>
          %and3A_236 = arith.andi %get3A_174, %and3A_235 : vector<16xi32>
          tpu.vector_store_idx %arg6[%shift_right_arithmetic3A_233, %and3A_236], %get3A_198 {add = true} : memref<512x128xf32, #tpu.memory_space<vmem>>[vector<16xi32>, vector<16xi32>], vector<16xf32>,
          %shift_right_arithmetic3A_237 = arith.constant 7 : i32
          %shift_right_arithmetic3A_238 = vector.broadcast %shift_right_arithmetic3A_237 : i32 to vector<16xi32>
          %shift_right_arithmetic3A_239 = arith.shrsi %get3A_177, %shift_right_arithmetic3A_238 : vector<16xi32>
          %and3A_240 = arith.constant 127 : i32
          %and3A_241 = vector.broadcast %and3A_240 : i32 to vector<16xi32>
          %and3A_242 = arith.andi %get3A_177, %and3A_241 : vector<16xi32>
          tpu.vector_store_idx %arg6[%shift_right_arithmetic3A_239, %and3A_242], %get3A_201 {add = true} : memref<512x128xf32, #tpu.memory_space<vmem>>[vector<16xi32>, vector<16xi32>], vector<16xf32>,
          %shift_right_arithmetic3A_243 = arith.constant 7 : i32
          %shift_right_arithmetic3A_244 = vector.broadcast %shift_right_arithmetic3A_243 : i32 to vector<16xi32>
          %shift_right_arithmetic3A_245 = arith.shrsi %get3A_180, %shift_right_arithmetic3A_244 : vector<16xi32>
          %and3A_246 = arith.constant 127 : i32
          %and3A_247 = vector.broadcast %and3A_246 : i32 to vector<16xi32>
          %and3A_248 = arith.andi %get3A_180, %and3A_247 : vector<16xi32>
          tpu.vector_store_idx %arg6[%shift_right_arithmetic3A_245, %and3A_248], %get3A_204 {add = true} : memref<512x128xf32, #tpu.memory_space<vmem>>[vector<16xi32>, vector<16xi32>], vector<16xf32>,
          %shift_right_arithmetic3A_249 = arith.constant 7 : i32
          %shift_right_arithmetic3A_250 = vector.broadcast %shift_right_arithmetic3A_249 : i32 to vector<16xi32>
          %shift_right_arithmetic3A_251 = arith.shrsi %get3A_183, %shift_right_arithmetic3A_250 : vector<16xi32>
          %and3A_252 = arith.constant 127 : i32
          %and3A_253 = vector.broadcast %and3A_252 : i32 to vector<16xi32>
          %and3A_254 = arith.andi %get3A_183, %and3A_253 : vector<16xi32>
          tpu.vector_store_idx %arg6[%shift_right_arithmetic3A_251, %and3A_254], %get3A_207 {add = true} : memref<512x128xf32, #tpu.memory_space<vmem>>[vector<16xi32>, vector<16xi32>], vector<16xf32>,
        }
        %scan3A_133 = arith.constant 64 : i32
        %mul3A_134 = arith.constant 2 : i32
        %mul3A_135 = arith.muli %mul3A_134, %add3A_114 : i32
        %add3A_136 = arith.constant 1 : i32
        %add3A_137 = arith.addi %mul3A_135, %add3A_136 : i32
        %lt3A_138 = arith.constant 31 : i32
        %lt3A_139 = arith.cmpi slt, %add3A_137, %lt3A_138 : i32
        %convert_element_type3A_140 = arith.extui %lt3A_139 : i1 to i32
        %cond3A_141 = arith.constant 0 : i32
        %cond3A_142 = arith.cmpi ne, %convert_element_type3A_140, %cond3A_141 : i32
        scf.if %cond3A_142 {
          %add3A_156 = arith.constant 1 : i32
          %add3A_157 = arith.addi %add3A_137, %add3A_156 : i32
          %mul3A_158 = arith.constant 64 : i32
          %mul3A_159 = arith.muli %add3A_157, %mul3A_158 : i32
          %add3A_160 = arith.addi %add3A_87, %mul3A_159 : i32
          %dma_start3A_161 = arith.constant 0 : i32
          %dma_start3A_162 = tpu.memref_slice %arg2[%add3A_160, %dma_start3A_161] : memref<98304x128xi32, #tpu.memory_space<hbm>> -> memref<64x128xi32, #tpu.memory_space<hbm>>
          %dma_start3A_163 = arith.constant 0 : i32
          %dma_start3A_164 = tpu.memref_slice %arg2[%add3A_160, %dma_start3A_163] : memref<98304x128xi32, #tpu.memory_space<hbm>> -> memref<64x128xi32, #tpu.memory_space<hbm>>
          tpu.enqueue_dma source(%dma_start3A_164 : memref<64x128xi32, #tpu.memory_space<hbm>>) target(%arg7 : memref<64x128xi32, #tpu.memory_space<vmem>>) target_semaphore(%arg11 : memref<!tpu.dma_semaphore, #tpu.memory_space<semaphore_mem>>)
          %add3A_165 = arith.addi %add3A_95, %mul3A_159 : i32
          %dma_start3A_166 = arith.constant 0 : i32
          %dma_start3A_167 = tpu.memref_slice %arg3[%add3A_165, %dma_start3A_166] : memref<196608x128xf32, #tpu.memory_space<hbm>> -> memref<64x128xf32, #tpu.memory_space<hbm>>
          %dma_start3A_168 = arith.constant 0 : i32
          %dma_start3A_169 = tpu.memref_slice %arg3[%add3A_165, %dma_start3A_168] : memref<196608x128xf32, #tpu.memory_space<hbm>> -> memref<64x128xf32, #tpu.memory_space<hbm>>
          tpu.enqueue_dma source(%dma_start3A_169 : memref<64x128xf32, #tpu.memory_space<hbm>>) target(%arg9 : memref<64x128xf32, #tpu.memory_space<vmem>>) target_semaphore(%arg11 : memref<!tpu.dma_semaphore, #tpu.memory_space<semaphore_mem>>)
        } else {
        }
        %dma_wait3A_143 = arith.constant 0 : i32
        %dma_wait3A_144 = tpu.memref_slice %arg2[%add3A_87, %dma_wait3A_143] : memref<98304x128xi32, #tpu.memory_space<hbm>> -> memref<64x128xi32, #tpu.memory_space<hbm>>
        %dma_wait3A_145 = arith.constant 0 : i32
        %dma_wait3A_146 = tpu.memref_slice %arg2[%add3A_87, %dma_wait3A_145] : memref<98304x128xi32, #tpu.memory_space<hbm>> -> memref<64x128xi32, #tpu.memory_space<hbm>>
        tpu.wait_dma2 semaphore(%arg12 : memref<!tpu.dma_semaphore, #tpu.memory_space<semaphore_mem>>) src(%dma_wait3A_146 : memref<64x128xi32, #tpu.memory_space<hbm>>) dst(%arg8 : memref<64x128xi32, #tpu.memory_space<vmem>>)
        %dma_wait3A_147 = arith.constant 0 : i32
        %dma_wait3A_148 = tpu.memref_slice %arg3[%add3A_95, %dma_wait3A_147] : memref<196608x128xf32, #tpu.memory_space<hbm>> -> memref<64x128xf32, #tpu.memory_space<hbm>>
        %dma_wait3A_149 = arith.constant 0 : i32
        %dma_wait3A_150 = tpu.memref_slice %arg3[%add3A_95, %dma_wait3A_149] : memref<196608x128xf32, #tpu.memory_space<hbm>> -> memref<64x128xf32, #tpu.memory_space<hbm>>
        tpu.wait_dma2 semaphore(%arg12 : memref<!tpu.dma_semaphore, #tpu.memory_space<semaphore_mem>>) src(%dma_wait3A_150 : memref<64x128xf32, #tpu.memory_space<hbm>>) dst(%arg10 : memref<64x128xf32, #tpu.memory_space<vmem>>)
        %scan3A_151 = arith.constant 0 : i32
        %scan3A_152 = arith.constant 64 : i32
        %scan3A_153 = arith.addi %scan3A_151, %scan3A_152 : i32
        %scan3A_154 = arith.constant 1 : i32
        scf.for %scan3A_156 = %scan3A_151 to %scan3A_153 step %scan3A_154  : i32 {
          %mul3A_157 = arith.constant 1 : i32
          %mul3A_158 = arith.muli %scan3A_156, %mul3A_157 : i32
          %add3A_159 = arith.constant 0 : i32
          %add3A_160 = arith.addi %add3A_159, %mul3A_158 : i32
          %get3A = arith.index_cast %add3A_160 : i32 to index
          %get3A_161 = arith.constant 0 : index
          %get3A_162 = tpu.vector_load %arg8[%get3A, %get3A_161] {strides = array<i32>} : memref<64x128xi32, #tpu.memory_space<vmem>>, vector<16xi32>,
          %get3A_163 = arith.index_cast %add3A_160 : i32 to index
          %get3A_164 = arith.constant 16 : index
          %get3A_165 = tpu.vector_load %arg8[%get3A_163, %get3A_164] {strides = array<i32>} : memref<64x128xi32, #tpu.memory_space<vmem>>, vector<16xi32>,
          %get3A_166 = arith.index_cast %add3A_160 : i32 to index
          %get3A_167 = arith.constant 32 : index
          %get3A_168 = tpu.vector_load %arg8[%get3A_166, %get3A_167] {strides = array<i32>} : memref<64x128xi32, #tpu.memory_space<vmem>>, vector<16xi32>,
          %get3A_169 = arith.index_cast %add3A_160 : i32 to index
          %get3A_170 = arith.constant 48 : index
          %get3A_171 = tpu.vector_load %arg8[%get3A_169, %get3A_170] {strides = array<i32>} : memref<64x128xi32, #tpu.memory_space<vmem>>, vector<16xi32>,
          %get3A_172 = arith.index_cast %add3A_160 : i32 to index
          %get3A_173 = arith.constant 64 : index
          %get3A_174 = tpu.vector_load %arg8[%get3A_172, %get3A_173] {strides = array<i32>} : memref<64x128xi32, #tpu.memory_space<vmem>>, vector<16xi32>,
          %get3A_175 = arith.index_cast %add3A_160 : i32 to index
          %get3A_176 = arith.constant 80 : index
          %get3A_177 = tpu.vector_load %arg8[%get3A_175, %get3A_176] {strides = array<i32>} : memref<64x128xi32, #tpu.memory_space<vmem>>, vector<16xi32>,
          %get3A_178 = arith.index_cast %add3A_160 : i32 to index
          %get3A_179 = arith.constant 96 : index
          %get3A_180 = tpu.vector_load %arg8[%get3A_178, %get3A_179] {strides = array<i32>} : memref<64x128xi32, #tpu.memory_space<vmem>>, vector<16xi32>,
          %get3A_181 = arith.index_cast %add3A_160 : i32 to index
          %get3A_182 = arith.constant 112 : index
          %get3A_183 = tpu.vector_load %arg8[%get3A_181, %get3A_182] {strides = array<i32>} : memref<64x128xi32, #tpu.memory_space<vmem>>, vector<16xi32>,
          %get3A_184 = arith.index_cast %add3A_160 : i32 to index
          %get3A_185 = arith.constant 0 : index
          %get3A_186 = tpu.vector_load %arg10[%get3A_184, %get3A_185] {strides = array<i32>} : memref<64x128xf32, #tpu.memory_space<vmem>>, vector<16xf32>,
          %get3A_187 = arith.index_cast %add3A_160 : i32 to index
          %get3A_188 = arith.constant 16 : index
          %get3A_189 = tpu.vector_load %arg10[%get3A_187, %get3A_188] {strides = array<i32>} : memref<64x128xf32, #tpu.memory_space<vmem>>, vector<16xf32>,
          %get3A_190 = arith.index_cast %add3A_160 : i32 to index
          %get3A_191 = arith.constant 32 : index
          %get3A_192 = tpu.vector_load %arg10[%get3A_190, %get3A_191] {strides = array<i32>} : memref<64x128xf32, #tpu.memory_space<vmem>>, vector<16xf32>,
          %get3A_193 = arith.index_cast %add3A_160 : i32 to index
          %get3A_194 = arith.constant 48 : index
          %get3A_195 = tpu.vector_load %arg10[%get3A_193, %get3A_194] {strides = array<i32>} : memref<64x128xf32, #tpu.memory_space<vmem>>, vector<16xf32>,
          %get3A_196 = arith.index_cast %add3A_160 : i32 to index
          %get3A_197 = arith.constant 64 : index
          %get3A_198 = tpu.vector_load %arg10[%get3A_196, %get3A_197] {strides = array<i32>} : memref<64x128xf32, #tpu.memory_space<vmem>>, vector<16xf32>,
          %get3A_199 = arith.index_cast %add3A_160 : i32 to index
          %get3A_200 = arith.constant 80 : index
          %get3A_201 = tpu.vector_load %arg10[%get3A_199, %get3A_200] {strides = array<i32>} : memref<64x128xf32, #tpu.memory_space<vmem>>, vector<16xf32>,
          %get3A_202 = arith.index_cast %add3A_160 : i32 to index
          %get3A_203 = arith.constant 96 : index
          %get3A_204 = tpu.vector_load %arg10[%get3A_202, %get3A_203] {strides = array<i32>} : memref<64x128xf32, #tpu.memory_space<vmem>>, vector<16xf32>,
          %get3A_205 = arith.index_cast %add3A_160 : i32 to index
          %get3A_206 = arith.constant 112 : index
          %get3A_207 = tpu.vector_load %arg10[%get3A_205, %get3A_206] {strides = array<i32>} : memref<64x128xf32, #tpu.memory_space<vmem>>, vector<16xf32>,
          %shift_right_arithmetic3A = arith.constant 7 : i32
          %shift_right_arithmetic3A_208 = vector.broadcast %shift_right_arithmetic3A : i32 to vector<16xi32>
          %shift_right_arithmetic3A_209 = arith.shrsi %get3A_162, %shift_right_arithmetic3A_208 : vector<16xi32>
          %and3A_210 = arith.constant 127 : i32
          %and3A_211 = vector.broadcast %and3A_210 : i32 to vector<16xi32>
          %and3A_212 = arith.andi %get3A_162, %and3A_211 : vector<16xi32>
          tpu.vector_store_idx %arg6[%shift_right_arithmetic3A_209, %and3A_212], %get3A_186 {add = true} : memref<512x128xf32, #tpu.memory_space<vmem>>[vector<16xi32>, vector<16xi32>], vector<16xf32>,
          %shift_right_arithmetic3A_213 = arith.constant 7 : i32
          %shift_right_arithmetic3A_214 = vector.broadcast %shift_right_arithmetic3A_213 : i32 to vector<16xi32>
          %shift_right_arithmetic3A_215 = arith.shrsi %get3A_165, %shift_right_arithmetic3A_214 : vector<16xi32>
          %and3A_216 = arith.constant 127 : i32
          %and3A_217 = vector.broadcast %and3A_216 : i32 to vector<16xi32>
          %and3A_218 = arith.andi %get3A_165, %and3A_217 : vector<16xi32>
          tpu.vector_store_idx %arg6[%shift_right_arithmetic3A_215, %and3A_218], %get3A_189 {add = true} : memref<512x128xf32, #tpu.memory_space<vmem>>[vector<16xi32>, vector<16xi32>], vector<16xf32>,
          %shift_right_arithmetic3A_219 = arith.constant 7 : i32
          %shift_right_arithmetic3A_220 = vector.broadcast %shift_right_arithmetic3A_219 : i32 to vector<16xi32>
          %shift_right_arithmetic3A_221 = arith.shrsi %get3A_168, %shift_right_arithmetic3A_220 : vector<16xi32>
          %and3A_222 = arith.constant 127 : i32
          %and3A_223 = vector.broadcast %and3A_222 : i32 to vector<16xi32>
          %and3A_224 = arith.andi %get3A_168, %and3A_223 : vector<16xi32>
          tpu.vector_store_idx %arg6[%shift_right_arithmetic3A_221, %and3A_224], %get3A_192 {add = true} : memref<512x128xf32, #tpu.memory_space<vmem>>[vector<16xi32>, vector<16xi32>], vector<16xf32>,
          %shift_right_arithmetic3A_225 = arith.constant 7 : i32
          %shift_right_arithmetic3A_226 = vector.broadcast %shift_right_arithmetic3A_225 : i32 to vector<16xi32>
          %shift_right_arithmetic3A_227 = arith.shrsi %get3A_171, %shift_right_arithmetic3A_226 : vector<16xi32>
          %and3A_228 = arith.constant 127 : i32
          %and3A_229 = vector.broadcast %and3A_228 : i32 to vector<16xi32>
          %and3A_230 = arith.andi %get3A_171, %and3A_229 : vector<16xi32>
          tpu.vector_store_idx %arg6[%shift_right_arithmetic3A_227, %and3A_230], %get3A_195 {add = true} : memref<512x128xf32, #tpu.memory_space<vmem>>[vector<16xi32>, vector<16xi32>], vector<16xf32>,
          %shift_right_arithmetic3A_231 = arith.constant 7 : i32
          %shift_right_arithmetic3A_232 = vector.broadcast %shift_right_arithmetic3A_231 : i32 to vector<16xi32>
          %shift_right_arithmetic3A_233 = arith.shrsi %get3A_174, %shift_right_arithmetic3A_232 : vector<16xi32>
          %and3A_234 = arith.constant 127 : i32
          %and3A_235 = vector.broadcast %and3A_234 : i32 to vector<16xi32>
          %and3A_236 = arith.andi %get3A_174, %and3A_235 : vector<16xi32>
          tpu.vector_store_idx %arg6[%shift_right_arithmetic3A_233, %and3A_236], %get3A_198 {add = true} : memref<512x128xf32, #tpu.memory_space<vmem>>[vector<16xi32>, vector<16xi32>], vector<16xf32>,
          %shift_right_arithmetic3A_237 = arith.constant 7 : i32
          %shift_right_arithmetic3A_238 = vector.broadcast %shift_right_arithmetic3A_237 : i32 to vector<16xi32>
          %shift_right_arithmetic3A_239 = arith.shrsi %get3A_177, %shift_right_arithmetic3A_238 : vector<16xi32>
          %and3A_240 = arith.constant 127 : i32
          %and3A_241 = vector.broadcast %and3A_240 : i32 to vector<16xi32>
          %and3A_242 = arith.andi %get3A_177, %and3A_241 : vector<16xi32>
          tpu.vector_store_idx %arg6[%shift_right_arithmetic3A_239, %and3A_242], %get3A_201 {add = true} : memref<512x128xf32, #tpu.memory_space<vmem>>[vector<16xi32>, vector<16xi32>], vector<16xf32>,
          %shift_right_arithmetic3A_243 = arith.constant 7 : i32
          %shift_right_arithmetic3A_244 = vector.broadcast %shift_right_arithmetic3A_243 : i32 to vector<16xi32>
          %shift_right_arithmetic3A_245 = arith.shrsi %get3A_180, %shift_right_arithmetic3A_244 : vector<16xi32>
          %and3A_246 = arith.constant 127 : i32
          %and3A_247 = vector.broadcast %and3A_246 : i32 to vector<16xi32>
          %and3A_248 = arith.andi %get3A_180, %and3A_247 : vector<16xi32>
          tpu.vector_store_idx %arg6[%shift_right_arithmetic3A_245, %and3A_248], %get3A_204 {add = true} : memref<512x128xf32, #tpu.memory_space<vmem>>[vector<16xi32>, vector<16xi32>], vector<16xf32>,
          %shift_right_arithmetic3A_249 = arith.constant 7 : i32
          %shift_right_arithmetic3A_250 = vector.broadcast %shift_right_arithmetic3A_249 : i32 to vector<16xi32>
          %shift_right_arithmetic3A_251 = arith.shrsi %get3A_183, %shift_right_arithmetic3A_250 : vector<16xi32>
          %and3A_252 = arith.constant 127 : i32
          %and3A_253 = vector.broadcast %and3A_252 : i32 to vector<16xi32>
          %and3A_254 = arith.andi %get3A_183, %and3A_253 : vector<16xi32>
          tpu.vector_store_idx %arg6[%shift_right_arithmetic3A_251, %and3A_254], %get3A_207 {add = true} : memref<512x128xf32, #tpu.memory_space<vmem>>[vector<16xi32>, vector<16xi32>], vector<16xf32>,
        }
        %scan3A_155 = arith.constant 64 : i32
      }
      %scan3A_107 = arith.constant 16 : i32
      %mul3A_108 = arith.constant 512 : i32
      %mul3A_109 = arith.muli %add3A_12, %mul3A_108 : i32
      "tpu.region"() ({
        %run_scoped3A = tpu.sem_alloc : memref<!tpu.dma_semaphore, #tpu.memory_space<semaphore_mem>>
        %dma_start3A_110 = arith.constant 0 : i32
        %dma_start3A_111 = tpu.memref_slice %arg5[%mul3A_109, %dma_start3A_110] : memref<49152x128xf32, #tpu.memory_space<hbm>> -> memref<512x128xf32, #tpu.memory_space<hbm>>
        %dma_start3A_112 = arith.constant 0 : i32
        %dma_start3A_113 = tpu.memref_slice %arg5[%mul3A_109, %dma_start3A_112] : memref<49152x128xf32, #tpu.memory_space<hbm>> -> memref<512x128xf32, #tpu.memory_space<hbm>>
        tpu.enqueue_dma source(%arg6 : memref<512x128xf32, #tpu.memory_space<vmem>>) target(%dma_start3A_113 : memref<512x128xf32, #tpu.memory_space<hbm>>) target_semaphore(%run_scoped3A : memref<!tpu.dma_semaphore, #tpu.memory_space<semaphore_mem>>)
        %dma_wait3A = arith.constant 0 : i32
        %dma_wait3A_114 = tpu.memref_slice %arg5[%mul3A_109, %dma_wait3A] : memref<49152x128xf32, #tpu.memory_space<hbm>> -> memref<512x128xf32, #tpu.memory_space<hbm>>
        %dma_wait3A_115 = arith.constant 0 : i32
        %dma_wait3A_116 = tpu.memref_slice %arg5[%mul3A_109, %dma_wait3A_115] : memref<49152x128xf32, #tpu.memory_space<hbm>> -> memref<512x128xf32, #tpu.memory_space<hbm>>
        tpu.wait_dma2 semaphore(%run_scoped3A : memref<!tpu.dma_semaphore, #tpu.memory_space<semaphore_mem>>) src(%arg6 : memref<512x128xf32, #tpu.memory_space<vmem>>) dst(%dma_wait3A_116 : memref<512x128xf32, #tpu.memory_space<hbm>>)
        tpu.yield
      }) : () -> ()
    }
    %scan3A_4 = arith.constant 3 : i32
    return
  }
}

module attributes {stable_mosaic.version = 14 : i64} {
  func.func @_project_kernel(%arg0: i32, %arg1: i32, %arg2: memref<1x3x64x512xf32, #tpu.memory_space<vmem>>, %arg3: memref<3x4x64x512xi32, #tpu.memory_space<vmem>>, %arg4: memref<6x4x64x512xf32, #tpu.memory_space<vmem>>) attributes {dimension_semantics = [#tpu.dimension_semantics<parallel>, #tpu.dimension_semantics<parallel>], iteration_bounds = array<i64: 4, 8>, scalar_prefetch = 0 : i64, scratch_operands = 0 : i64, tpu.core_type = #tpu.core_type<tc>, window_params = [{transform_indices = @transform_0, window_bounds = array<i64: 1, 3, 64, 512>}, {transform_indices = @transform_1, window_bounds = array<i64: 3, 4, 64, 512>}, {transform_indices = @transform_2, window_bounds = array<i64: 6, 4, 64, 512>}]} {
    %get3A = arith.constant 0 : index
    %get3A_0 = arith.constant 0 : index
    %get3A_1 = arith.constant 0 : index
    %get3A_2 = arith.constant 0 : index
    %get3A_3 = vector.load %arg2[%get3A, %get3A_0, %get3A_1, %get3A_2] : memref<1x3x64x512xf32, #tpu.memory_space<vmem>>, vector<1x1x64x512xf32>
    %get3A_4 = vector.shape_cast %get3A_3 : vector<1x1x64x512xf32> to vector<64x512xf32>
    %mul3A = arith.constant 2.550000e+02 : f32
    %mul3A_5 = vector.broadcast %mul3A : f32 to vector<64x512xf32>
    %mul3A_6 = arith.mulf %get3A_4, %mul3A_5 : vector<64x512xf32>
    %get3A_7 = arith.constant 0 : index
    %get3A_8 = arith.constant 1 : index
    %get3A_9 = arith.constant 0 : index
    %get3A_10 = arith.constant 0 : index
    %get3A_11 = vector.load %arg2[%get3A_7, %get3A_8, %get3A_9, %get3A_10] : memref<1x3x64x512xf32, #tpu.memory_space<vmem>>, vector<1x1x64x512xf32>
    %get3A_12 = vector.shape_cast %get3A_11 : vector<1x1x64x512xf32> to vector<64x512xf32>
    %mul3A_13 = arith.constant 2.550000e+02 : f32
    %mul3A_14 = vector.broadcast %mul3A_13 : f32 to vector<64x512xf32>
    %mul3A_15 = arith.mulf %get3A_12, %mul3A_14 : vector<64x512xf32>
    %get3A_16 = arith.constant 0 : index
    %get3A_17 = arith.constant 2 : index
    %get3A_18 = arith.constant 0 : index
    %get3A_19 = arith.constant 0 : index
    %get3A_20 = vector.load %arg2[%get3A_16, %get3A_17, %get3A_18, %get3A_19] : memref<1x3x64x512xf32, #tpu.memory_space<vmem>>, vector<1x1x64x512xf32>
    %get3A_21 = vector.shape_cast %get3A_20 : vector<1x1x64x512xf32> to vector<64x512xf32>
    %convert_element_type3A = arith.fptosi %mul3A_6 : vector<64x512xf32> to vector<64x512xi32>
    %jit3A = arith.constant 0 : i32
    %jit3A_22 = arith.constant 254 : i32
    %max3A = vector.broadcast %jit3A : i32 to vector<64x512xi32>
    %max3A_23 = arith.maxsi %max3A, %convert_element_type3A : vector<64x512xi32>
    %min3A = vector.broadcast %jit3A_22 : i32 to vector<64x512xi32>
    %min3A_24 = arith.minsi %min3A, %max3A_23 : vector<64x512xi32>
    %convert_element_type3A_25 = arith.fptosi %mul3A_15 : vector<64x512xf32> to vector<64x512xi32>
    %jit3A_26 = arith.constant 0 : i32
    %jit3A_27 = arith.constant 254 : i32
    %max3A_28 = vector.broadcast %jit3A_26 : i32 to vector<64x512xi32>
    %max3A_29 = arith.maxsi %max3A_28, %convert_element_type3A_25 : vector<64x512xi32>
    %min3A_30 = vector.broadcast %jit3A_27 : i32 to vector<64x512xi32>
    %min3A_31 = arith.minsi %min3A_30, %max3A_29 : vector<64x512xi32>
    %convert_element_type3A_32 = arith.sitofp %min3A_24 : vector<64x512xi32> to vector<64x512xf32>
    %sub3A = arith.subf %mul3A_6, %convert_element_type3A_32 : vector<64x512xf32>
    %jit3A_33 = arith.constant 0.000000e+00 : f32
    %jit3A_34 = arith.constant 1.000000e+00 : f32
    %max3A_35 = vector.broadcast %jit3A_33 : f32 to vector<64x512xf32>
    %max3A_36 = arith.maximumf %max3A_35, %sub3A : vector<64x512xf32>
    %min3A_37 = vector.broadcast %jit3A_34 : f32 to vector<64x512xf32>
    %min3A_38 = arith.minimumf %min3A_37, %max3A_36 : vector<64x512xf32>
    %convert_element_type3A_39 = arith.sitofp %min3A_31 : vector<64x512xi32> to vector<64x512xf32>
    %sub3A_40 = arith.subf %mul3A_15, %convert_element_type3A_39 : vector<64x512xf32>
    %jit3A_41 = arith.constant 0.000000e+00 : f32
    %jit3A_42 = arith.constant 1.000000e+00 : f32
    %max3A_43 = vector.broadcast %jit3A_41 : f32 to vector<64x512xf32>
    %max3A_44 = arith.maximumf %max3A_43, %sub3A_40 : vector<64x512xf32>
    %min3A_45 = vector.broadcast %jit3A_42 : f32 to vector<64x512xf32>
    %min3A_46 = arith.minimumf %min3A_45, %max3A_44 : vector<64x512xf32>
    %sub3A_47 = arith.constant 1.000000e+00 : f32
    %sub3A_48 = vector.broadcast %sub3A_47 : f32 to vector<64x512xf32>
    %sub3A_49 = arith.subf %sub3A_48, %min3A_38 : vector<64x512xf32>
    %sub3A_50 = arith.constant 1.000000e+00 : f32
    %sub3A_51 = vector.broadcast %sub3A_50 : f32 to vector<64x512xf32>
    %sub3A_52 = arith.subf %sub3A_51, %min3A_46 : vector<64x512xf32>
    %mul3A_53 = arith.constant 256 : i32
    %mul3A_54 = vector.broadcast %mul3A_53 : i32 to vector<64x512xi32>
    %mul3A_55 = arith.muli %min3A_31, %mul3A_54 : vector<64x512xi32>
    %add3A = arith.addi %mul3A_55, %min3A_24 : vector<64x512xi32>
    %swap3A = arith.constant 0 : index
    %swap3A_56 = arith.constant 0 : index
    %swap3A_57 = arith.constant 0 : index
    %swap3A_58 = arith.constant 0 : index
    %swap3A_59 = vector.load %arg3[%swap3A, %swap3A_56, %swap3A_57, %swap3A_58] : memref<3x4x64x512xi32, #tpu.memory_space<vmem>>, vector<1x1x64x512xi32>
    %swap3A_60 = vector.shape_cast %swap3A_59 : vector<1x1x64x512xi32> to vector<64x512xi32>
    %swap3A_61 = vector.shape_cast %add3A : vector<64x512xi32> to vector<1x1x64x512xi32>
    tpu.vector_store %arg3[%swap3A, %swap3A_56, %swap3A_57, %swap3A_58], %swap3A_61 {strides = array<i32>} : memref<3x4x64x512xi32, #tpu.memory_space<vmem>>, vector<1x1x64x512xi32>,
    %add3A_62 = arith.constant 1 : i32
    %add3A_63 = vector.broadcast %add3A_62 : i32 to vector<64x512xi32>
    %add3A_64 = arith.addi %add3A, %add3A_63 : vector<64x512xi32>
    %swap3A_65 = arith.constant 0 : index
    %swap3A_66 = arith.constant 1 : index
    %swap3A_67 = arith.constant 0 : index
    %swap3A_68 = arith.constant 0 : index
    %swap3A_69 = vector.load %arg3[%swap3A_65, %swap3A_66, %swap3A_67, %swap3A_68] : memref<3x4x64x512xi32, #tpu.memory_space<vmem>>, vector<1x1x64x512xi32>
    %swap3A_70 = vector.shape_cast %swap3A_69 : vector<1x1x64x512xi32> to vector<64x512xi32>
    %swap3A_71 = vector.shape_cast %add3A_64 : vector<64x512xi32> to vector<1x1x64x512xi32>
    tpu.vector_store %arg3[%swap3A_65, %swap3A_66, %swap3A_67, %swap3A_68], %swap3A_71 {strides = array<i32>} : memref<3x4x64x512xi32, #tpu.memory_space<vmem>>, vector<1x1x64x512xi32>,
    %add3A_72 = arith.constant 256 : i32
    %add3A_73 = vector.broadcast %add3A_72 : i32 to vector<64x512xi32>
    %add3A_74 = arith.addi %add3A, %add3A_73 : vector<64x512xi32>
    %swap3A_75 = arith.constant 0 : index
    %swap3A_76 = arith.constant 2 : index
    %swap3A_77 = arith.constant 0 : index
    %swap3A_78 = arith.constant 0 : index
    %swap3A_79 = vector.load %arg3[%swap3A_75, %swap3A_76, %swap3A_77, %swap3A_78] : memref<3x4x64x512xi32, #tpu.memory_space<vmem>>, vector<1x1x64x512xi32>
    %swap3A_80 = vector.shape_cast %swap3A_79 : vector<1x1x64x512xi32> to vector<64x512xi32>
    %swap3A_81 = vector.shape_cast %add3A_74 : vector<64x512xi32> to vector<1x1x64x512xi32>
    tpu.vector_store %arg3[%swap3A_75, %swap3A_76, %swap3A_77, %swap3A_78], %swap3A_81 {strides = array<i32>} : memref<3x4x64x512xi32, #tpu.memory_space<vmem>>, vector<1x1x64x512xi32>,
    %add3A_82 = arith.constant 257 : i32
    %add3A_83 = vector.broadcast %add3A_82 : i32 to vector<64x512xi32>
    %add3A_84 = arith.addi %add3A, %add3A_83 : vector<64x512xi32>
    %swap3A_85 = arith.constant 0 : index
    %swap3A_86 = arith.constant 3 : index
    %swap3A_87 = arith.constant 0 : index
    %swap3A_88 = arith.constant 0 : index
    %swap3A_89 = vector.load %arg3[%swap3A_85, %swap3A_86, %swap3A_87, %swap3A_88] : memref<3x4x64x512xi32, #tpu.memory_space<vmem>>, vector<1x1x64x512xi32>
    %swap3A_90 = vector.shape_cast %swap3A_89 : vector<1x1x64x512xi32> to vector<64x512xi32>
    %swap3A_91 = vector.shape_cast %add3A_84 : vector<64x512xi32> to vector<1x1x64x512xi32>
    tpu.vector_store %arg3[%swap3A_85, %swap3A_86, %swap3A_87, %swap3A_88], %swap3A_91 {strides = array<i32>} : memref<3x4x64x512xi32, #tpu.memory_space<vmem>>, vector<1x1x64x512xi32>,
    %mul3A_92 = arith.mulf %sub3A_52, %sub3A_49 : vector<64x512xf32>
    %mul3A_93 = arith.mulf %sub3A_52, %min3A_38 : vector<64x512xf32>
    %mul3A_94 = arith.mulf %min3A_46, %sub3A_49 : vector<64x512xf32>
    %mul3A_95 = arith.mulf %min3A_46, %min3A_38 : vector<64x512xf32>
    %swap3A_96 = arith.constant 0 : index
    %swap3A_97 = arith.constant 0 : index
    %swap3A_98 = arith.constant 0 : index
    %swap3A_99 = arith.constant 0 : index
    %swap3A_100 = vector.load %arg4[%swap3A_96, %swap3A_97, %swap3A_98, %swap3A_99] : memref<6x4x64x512xf32, #tpu.memory_space<vmem>>, vector<1x1x64x512xf32>
    %swap3A_101 = vector.shape_cast %swap3A_100 : vector<1x1x64x512xf32> to vector<64x512xf32>
    %swap3A_102 = vector.shape_cast %mul3A_92 : vector<64x512xf32> to vector<1x1x64x512xf32>
    tpu.vector_store %arg4[%swap3A_96, %swap3A_97, %swap3A_98, %swap3A_99], %swap3A_102 {strides = array<i32>} : memref<6x4x64x512xf32, #tpu.memory_space<vmem>>, vector<1x1x64x512xf32>,
    %swap3A_103 = arith.constant 0 : index
    %swap3A_104 = arith.constant 1 : index
    %swap3A_105 = arith.constant 0 : index
    %swap3A_106 = arith.constant 0 : index
    %swap3A_107 = vector.load %arg4[%swap3A_103, %swap3A_104, %swap3A_105, %swap3A_106] : memref<6x4x64x512xf32, #tpu.memory_space<vmem>>, vector<1x1x64x512xf32>
    %swap3A_108 = vector.shape_cast %swap3A_107 : vector<1x1x64x512xf32> to vector<64x512xf32>
    %swap3A_109 = vector.shape_cast %mul3A_93 : vector<64x512xf32> to vector<1x1x64x512xf32>
    tpu.vector_store %arg4[%swap3A_103, %swap3A_104, %swap3A_105, %swap3A_106], %swap3A_109 {strides = array<i32>} : memref<6x4x64x512xf32, #tpu.memory_space<vmem>>, vector<1x1x64x512xf32>,
    %swap3A_110 = arith.constant 0 : index
    %swap3A_111 = arith.constant 2 : index
    %swap3A_112 = arith.constant 0 : index
    %swap3A_113 = arith.constant 0 : index
    %swap3A_114 = vector.load %arg4[%swap3A_110, %swap3A_111, %swap3A_112, %swap3A_113] : memref<6x4x64x512xf32, #tpu.memory_space<vmem>>, vector<1x1x64x512xf32>
    %swap3A_115 = vector.shape_cast %swap3A_114 : vector<1x1x64x512xf32> to vector<64x512xf32>
    %swap3A_116 = vector.shape_cast %mul3A_94 : vector<64x512xf32> to vector<1x1x64x512xf32>
    tpu.vector_store %arg4[%swap3A_110, %swap3A_111, %swap3A_112, %swap3A_113], %swap3A_116 {strides = array<i32>} : memref<6x4x64x512xf32, #tpu.memory_space<vmem>>, vector<1x1x64x512xf32>,
    %swap3A_117 = arith.constant 0 : index
    %swap3A_118 = arith.constant 3 : index
    %swap3A_119 = arith.constant 0 : index
    %swap3A_120 = arith.constant 0 : index
    %swap3A_121 = vector.load %arg4[%swap3A_117, %swap3A_118, %swap3A_119, %swap3A_120] : memref<6x4x64x512xf32, #tpu.memory_space<vmem>>, vector<1x1x64x512xf32>
    %swap3A_122 = vector.shape_cast %swap3A_121 : vector<1x1x64x512xf32> to vector<64x512xf32>
    %swap3A_123 = vector.shape_cast %mul3A_95 : vector<64x512xf32> to vector<1x1x64x512xf32>
    tpu.vector_store %arg4[%swap3A_117, %swap3A_118, %swap3A_119, %swap3A_120], %swap3A_123 {strides = array<i32>} : memref<6x4x64x512xf32, #tpu.memory_space<vmem>>, vector<1x1x64x512xf32>,
    %mul3A_124 = arith.mulf %get3A_21, %mul3A_92 : vector<64x512xf32>
    %swap3A_125 = arith.constant 1 : index
    %swap3A_126 = arith.constant 0 : index
    %swap3A_127 = arith.constant 0 : index
    %swap3A_128 = arith.constant 0 : index
    %swap3A_129 = vector.load %arg4[%swap3A_125, %swap3A_126, %swap3A_127, %swap3A_128] : memref<6x4x64x512xf32, #tpu.memory_space<vmem>>, vector<1x1x64x512xf32>
    %swap3A_130 = vector.shape_cast %swap3A_129 : vector<1x1x64x512xf32> to vector<64x512xf32>
    %swap3A_131 = vector.shape_cast %mul3A_124 : vector<64x512xf32> to vector<1x1x64x512xf32>
    tpu.vector_store %arg4[%swap3A_125, %swap3A_126, %swap3A_127, %swap3A_128], %swap3A_131 {strides = array<i32>} : memref<6x4x64x512xf32, #tpu.memory_space<vmem>>, vector<1x1x64x512xf32>,
    %mul3A_132 = arith.mulf %get3A_21, %mul3A_93 : vector<64x512xf32>
    %swap3A_133 = arith.constant 1 : index
    %swap3A_134 = arith.constant 1 : index
    %swap3A_135 = arith.constant 0 : index
    %swap3A_136 = arith.constant 0 : index
    %swap3A_137 = vector.load %arg4[%swap3A_133, %swap3A_134, %swap3A_135, %swap3A_136] : memref<6x4x64x512xf32, #tpu.memory_space<vmem>>, vector<1x1x64x512xf32>
    %swap3A_138 = vector.shape_cast %swap3A_137 : vector<1x1x64x512xf32> to vector<64x512xf32>
    %swap3A_139 = vector.shape_cast %mul3A_132 : vector<64x512xf32> to vector<1x1x64x512xf32>
    tpu.vector_store %arg4[%swap3A_133, %swap3A_134, %swap3A_135, %swap3A_136], %swap3A_139 {strides = array<i32>} : memref<6x4x64x512xf32, #tpu.memory_space<vmem>>, vector<1x1x64x512xf32>,
    %mul3A_140 = arith.mulf %get3A_21, %mul3A_94 : vector<64x512xf32>
    %swap3A_141 = arith.constant 1 : index
    %swap3A_142 = arith.constant 2 : index
    %swap3A_143 = arith.constant 0 : index
    %swap3A_144 = arith.constant 0 : index
    %swap3A_145 = vector.load %arg4[%swap3A_141, %swap3A_142, %swap3A_143, %swap3A_144] : memref<6x4x64x512xf32, #tpu.memory_space<vmem>>, vector<1x1x64x512xf32>
    %swap3A_146 = vector.shape_cast %swap3A_145 : vector<1x1x64x512xf32> to vector<64x512xf32>
    %swap3A_147 = vector.shape_cast %mul3A_140 : vector<64x512xf32> to vector<1x1x64x512xf32>
    tpu.vector_store %arg4[%swap3A_141, %swap3A_142, %swap3A_143, %swap3A_144], %swap3A_147 {strides = array<i32>} : memref<6x4x64x512xf32, #tpu.memory_space<vmem>>, vector<1x1x64x512xf32>,
    %mul3A_148 = arith.mulf %get3A_21, %mul3A_95 : vector<64x512xf32>
    %swap3A_149 = arith.constant 1 : index
    %swap3A_150 = arith.constant 3 : index
    %swap3A_151 = arith.constant 0 : index
    %swap3A_152 = arith.constant 0 : index
    %swap3A_153 = vector.load %arg4[%swap3A_149, %swap3A_150, %swap3A_151, %swap3A_152] : memref<6x4x64x512xf32, #tpu.memory_space<vmem>>, vector<1x1x64x512xf32>
    %swap3A_154 = vector.shape_cast %swap3A_153 : vector<1x1x64x512xf32> to vector<64x512xf32>
    %swap3A_155 = vector.shape_cast %mul3A_148 : vector<64x512xf32> to vector<1x1x64x512xf32>
    tpu.vector_store %arg4[%swap3A_149, %swap3A_150, %swap3A_151, %swap3A_152], %swap3A_155 {strides = array<i32>} : memref<6x4x64x512xf32, #tpu.memory_space<vmem>>, vector<1x1x64x512xf32>,
    %get3A_156 = arith.constant 0 : index
    %get3A_157 = arith.constant 2 : index
    %get3A_158 = arith.constant 0 : index
    %get3A_159 = arith.constant 0 : index
    %get3A_160 = vector.load %arg2[%get3A_156, %get3A_157, %get3A_158, %get3A_159] : memref<1x3x64x512xf32, #tpu.memory_space<vmem>>, vector<1x1x64x512xf32>
    %get3A_161 = vector.shape_cast %get3A_160 : vector<1x1x64x512xf32> to vector<64x512xf32>
    %mul3A_162 = arith.constant 2.550000e+02 : f32
    %mul3A_163 = vector.broadcast %mul3A_162 : f32 to vector<64x512xf32>
    %mul3A_164 = arith.mulf %get3A_161, %mul3A_163 : vector<64x512xf32>
    %get3A_165 = arith.constant 0 : index
    %get3A_166 = arith.constant 1 : index
    %get3A_167 = arith.constant 0 : index
    %get3A_168 = arith.constant 0 : index
    %get3A_169 = vector.load %arg2[%get3A_165, %get3A_166, %get3A_167, %get3A_168] : memref<1x3x64x512xf32, #tpu.memory_space<vmem>>, vector<1x1x64x512xf32>
    %get3A_170 = vector.shape_cast %get3A_169 : vector<1x1x64x512xf32> to vector<64x512xf32>
    %mul3A_171 = arith.constant 2.550000e+02 : f32
    %mul3A_172 = vector.broadcast %mul3A_171 : f32 to vector<64x512xf32>
    %mul3A_173 = arith.mulf %get3A_170, %mul3A_172 : vector<64x512xf32>
    %get3A_174 = arith.constant 0 : index
    %get3A_175 = arith.constant 0 : index
    %get3A_176 = arith.constant 0 : index
    %get3A_177 = arith.constant 0 : index
    %get3A_178 = vector.load %arg2[%get3A_174, %get3A_175, %get3A_176, %get3A_177] : memref<1x3x64x512xf32, #tpu.memory_space<vmem>>, vector<1x1x64x512xf32>
    %get3A_179 = vector.shape_cast %get3A_178 : vector<1x1x64x512xf32> to vector<64x512xf32>
    %convert_element_type3A_180 = arith.fptosi %mul3A_164 : vector<64x512xf32> to vector<64x512xi32>
    %jit3A_181 = arith.constant 0 : i32
    %jit3A_182 = arith.constant 254 : i32
    %max3A_183 = vector.broadcast %jit3A_181 : i32 to vector<64x512xi32>
    %max3A_184 = arith.maxsi %max3A_183, %convert_element_type3A_180 : vector<64x512xi32>
    %min3A_185 = vector.broadcast %jit3A_182 : i32 to vector<64x512xi32>
    %min3A_186 = arith.minsi %min3A_185, %max3A_184 : vector<64x512xi32>
    %convert_element_type3A_187 = arith.fptosi %mul3A_173 : vector<64x512xf32> to vector<64x512xi32>
    %jit3A_188 = arith.constant 0 : i32
    %jit3A_189 = arith.constant 254 : i32
    %max3A_190 = vector.broadcast %jit3A_188 : i32 to vector<64x512xi32>
    %max3A_191 = arith.maxsi %max3A_190, %convert_element_type3A_187 : vector<64x512xi32>
    %min3A_192 = vector.broadcast %jit3A_189 : i32 to vector<64x512xi32>
    %min3A_193 = arith.minsi %min3A_192, %max3A_191 : vector<64x512xi32>
    %convert_element_type3A_194 = arith.sitofp %min3A_186 : vector<64x512xi32> to vector<64x512xf32>
    %sub3A_195 = arith.subf %mul3A_164, %convert_element_type3A_194 : vector<64x512xf32>
    %jit3A_196 = arith.constant 0.000000e+00 : f32
    %jit3A_197 = arith.constant 1.000000e+00 : f32
    %max3A_198 = vector.broadcast %jit3A_196 : f32 to vector<64x512xf32>
    %max3A_199 = arith.maximumf %max3A_198, %sub3A_195 : vector<64x512xf32>
    %min3A_200 = vector.broadcast %jit3A_197 : f32 to vector<64x512xf32>
    %min3A_201 = arith.minimumf %min3A_200, %max3A_199 : vector<64x512xf32>
    %convert_element_type3A_202 = arith.sitofp %min3A_193 : vector<64x512xi32> to vector<64x512xf32>
    %sub3A_203 = arith.subf %mul3A_173, %convert_element_type3A_202 : vector<64x512xf32>
    %jit3A_204 = arith.constant 0.000000e+00 : f32
    %jit3A_205 = arith.constant 1.000000e+00 : f32
    %max3A_206 = vector.broadcast %jit3A_204 : f32 to vector<64x512xf32>
    %max3A_207 = arith.maximumf %max3A_206, %sub3A_203 : vector<64x512xf32>
    %min3A_208 = vector.broadcast %jit3A_205 : f32 to vector<64x512xf32>
    %min3A_209 = arith.minimumf %min3A_208, %max3A_207 : vector<64x512xf32>
    %sub3A_210 = arith.constant 1.000000e+00 : f32
    %sub3A_211 = vector.broadcast %sub3A_210 : f32 to vector<64x512xf32>
    %sub3A_212 = arith.subf %sub3A_211, %min3A_201 : vector<64x512xf32>
    %sub3A_213 = arith.constant 1.000000e+00 : f32
    %sub3A_214 = vector.broadcast %sub3A_213 : f32 to vector<64x512xf32>
    %sub3A_215 = arith.subf %sub3A_214, %min3A_209 : vector<64x512xf32>
    %mul3A_216 = arith.constant 256 : i32
    %mul3A_217 = vector.broadcast %mul3A_216 : i32 to vector<64x512xi32>
    %mul3A_218 = arith.muli %min3A_193, %mul3A_217 : vector<64x512xi32>
    %add3A_219 = arith.addi %mul3A_218, %min3A_186 : vector<64x512xi32>
    %swap3A_220 = arith.constant 1 : index
    %swap3A_221 = arith.constant 0 : index
    %swap3A_222 = arith.constant 0 : index
    %swap3A_223 = arith.constant 0 : index
    %swap3A_224 = vector.load %arg3[%swap3A_220, %swap3A_221, %swap3A_222, %swap3A_223] : memref<3x4x64x512xi32, #tpu.memory_space<vmem>>, vector<1x1x64x512xi32>
    %swap3A_225 = vector.shape_cast %swap3A_224 : vector<1x1x64x512xi32> to vector<64x512xi32>
    %swap3A_226 = vector.shape_cast %add3A_219 : vector<64x512xi32> to vector<1x1x64x512xi32>
    tpu.vector_store %arg3[%swap3A_220, %swap3A_221, %swap3A_222, %swap3A_223], %swap3A_226 {strides = array<i32>} : memref<3x4x64x512xi32, #tpu.memory_space<vmem>>, vector<1x1x64x512xi32>,
    %add3A_227 = arith.constant 1 : i32
    %add3A_228 = vector.broadcast %add3A_227 : i32 to vector<64x512xi32>
    %add3A_229 = arith.addi %add3A_219, %add3A_228 : vector<64x512xi32>
    %swap3A_230 = arith.constant 1 : index
    %swap3A_231 = arith.constant 1 : index
    %swap3A_232 = arith.constant 0 : index
    %swap3A_233 = arith.constant 0 : index
    %swap3A_234 = vector.load %arg3[%swap3A_230, %swap3A_231, %swap3A_232, %swap3A_233] : memref<3x4x64x512xi32, #tpu.memory_space<vmem>>, vector<1x1x64x512xi32>
    %swap3A_235 = vector.shape_cast %swap3A_234 : vector<1x1x64x512xi32> to vector<64x512xi32>
    %swap3A_236 = vector.shape_cast %add3A_229 : vector<64x512xi32> to vector<1x1x64x512xi32>
    tpu.vector_store %arg3[%swap3A_230, %swap3A_231, %swap3A_232, %swap3A_233], %swap3A_236 {strides = array<i32>} : memref<3x4x64x512xi32, #tpu.memory_space<vmem>>, vector<1x1x64x512xi32>,
    %add3A_237 = arith.constant 256 : i32
    %add3A_238 = vector.broadcast %add3A_237 : i32 to vector<64x512xi32>
    %add3A_239 = arith.addi %add3A_219, %add3A_238 : vector<64x512xi32>
    %swap3A_240 = arith.constant 1 : index
    %swap3A_241 = arith.constant 2 : index
    %swap3A_242 = arith.constant 0 : index
    %swap3A_243 = arith.constant 0 : index
    %swap3A_244 = vector.load %arg3[%swap3A_240, %swap3A_241, %swap3A_242, %swap3A_243] : memref<3x4x64x512xi32, #tpu.memory_space<vmem>>, vector<1x1x64x512xi32>
    %swap3A_245 = vector.shape_cast %swap3A_244 : vector<1x1x64x512xi32> to vector<64x512xi32>
    %swap3A_246 = vector.shape_cast %add3A_239 : vector<64x512xi32> to vector<1x1x64x512xi32>
    tpu.vector_store %arg3[%swap3A_240, %swap3A_241, %swap3A_242, %swap3A_243], %swap3A_246 {strides = array<i32>} : memref<3x4x64x512xi32, #tpu.memory_space<vmem>>, vector<1x1x64x512xi32>,
    %add3A_247 = arith.constant 257 : i32
    %add3A_248 = vector.broadcast %add3A_247 : i32 to vector<64x512xi32>
    %add3A_249 = arith.addi %add3A_219, %add3A_248 : vector<64x512xi32>
    %swap3A_250 = arith.constant 1 : index
    %swap3A_251 = arith.constant 3 : index
    %swap3A_252 = arith.constant 0 : index
    %swap3A_253 = arith.constant 0 : index
    %swap3A_254 = vector.load %arg3[%swap3A_250, %swap3A_251, %swap3A_252, %swap3A_253] : memref<3x4x64x512xi32, #tpu.memory_space<vmem>>, vector<1x1x64x512xi32>
    %swap3A_255 = vector.shape_cast %swap3A_254 : vector<1x1x64x512xi32> to vector<64x512xi32>
    %swap3A_256 = vector.shape_cast %add3A_249 : vector<64x512xi32> to vector<1x1x64x512xi32>
    tpu.vector_store %arg3[%swap3A_250, %swap3A_251, %swap3A_252, %swap3A_253], %swap3A_256 {strides = array<i32>} : memref<3x4x64x512xi32, #tpu.memory_space<vmem>>, vector<1x1x64x512xi32>,
    %mul3A_257 = arith.mulf %sub3A_215, %sub3A_212 : vector<64x512xf32>
    %mul3A_258 = arith.mulf %sub3A_215, %min3A_201 : vector<64x512xf32>
    %mul3A_259 = arith.mulf %min3A_209, %sub3A_212 : vector<64x512xf32>
    %mul3A_260 = arith.mulf %min3A_209, %min3A_201 : vector<64x512xf32>
    %swap3A_261 = arith.constant 2 : index
    %swap3A_262 = arith.constant 0 : index
    %swap3A_263 = arith.constant 0 : index
    %swap3A_264 = arith.constant 0 : index
    %swap3A_265 = vector.load %arg4[%swap3A_261, %swap3A_262, %swap3A_263, %swap3A_264] : memref<6x4x64x512xf32, #tpu.memory_space<vmem>>, vector<1x1x64x512xf32>
    %swap3A_266 = vector.shape_cast %swap3A_265 : vector<1x1x64x512xf32> to vector<64x512xf32>
    %swap3A_267 = vector.shape_cast %mul3A_257 : vector<64x512xf32> to vector<1x1x64x512xf32>
    tpu.vector_store %arg4[%swap3A_261, %swap3A_262, %swap3A_263, %swap3A_264], %swap3A_267 {strides = array<i32>} : memref<6x4x64x512xf32, #tpu.memory_space<vmem>>, vector<1x1x64x512xf32>,
    %swap3A_268 = arith.constant 2 : index
    %swap3A_269 = arith.constant 1 : index
    %swap3A_270 = arith.constant 0 : index
    %swap3A_271 = arith.constant 0 : index
    %swap3A_272 = vector.load %arg4[%swap3A_268, %swap3A_269, %swap3A_270, %swap3A_271] : memref<6x4x64x512xf32, #tpu.memory_space<vmem>>, vector<1x1x64x512xf32>
    %swap3A_273 = vector.shape_cast %swap3A_272 : vector<1x1x64x512xf32> to vector<64x512xf32>
    %swap3A_274 = vector.shape_cast %mul3A_258 : vector<64x512xf32> to vector<1x1x64x512xf32>
    tpu.vector_store %arg4[%swap3A_268, %swap3A_269, %swap3A_270, %swap3A_271], %swap3A_274 {strides = array<i32>} : memref<6x4x64x512xf32, #tpu.memory_space<vmem>>, vector<1x1x64x512xf32>,
    %swap3A_275 = arith.constant 2 : index
    %swap3A_276 = arith.constant 2 : index
    %swap3A_277 = arith.constant 0 : index
    %swap3A_278 = arith.constant 0 : index
    %swap3A_279 = vector.load %arg4[%swap3A_275, %swap3A_276, %swap3A_277, %swap3A_278] : memref<6x4x64x512xf32, #tpu.memory_space<vmem>>, vector<1x1x64x512xf32>
    %swap3A_280 = vector.shape_cast %swap3A_279 : vector<1x1x64x512xf32> to vector<64x512xf32>
    %swap3A_281 = vector.shape_cast %mul3A_259 : vector<64x512xf32> to vector<1x1x64x512xf32>
    tpu.vector_store %arg4[%swap3A_275, %swap3A_276, %swap3A_277, %swap3A_278], %swap3A_281 {strides = array<i32>} : memref<6x4x64x512xf32, #tpu.memory_space<vmem>>, vector<1x1x64x512xf32>,
    %swap3A_282 = arith.constant 2 : index
    %swap3A_283 = arith.constant 3 : index
    %swap3A_284 = arith.constant 0 : index
    %swap3A_285 = arith.constant 0 : index
    %swap3A_286 = vector.load %arg4[%swap3A_282, %swap3A_283, %swap3A_284, %swap3A_285] : memref<6x4x64x512xf32, #tpu.memory_space<vmem>>, vector<1x1x64x512xf32>
    %swap3A_287 = vector.shape_cast %swap3A_286 : vector<1x1x64x512xf32> to vector<64x512xf32>
    %swap3A_288 = vector.shape_cast %mul3A_260 : vector<64x512xf32> to vector<1x1x64x512xf32>
    tpu.vector_store %arg4[%swap3A_282, %swap3A_283, %swap3A_284, %swap3A_285], %swap3A_288 {strides = array<i32>} : memref<6x4x64x512xf32, #tpu.memory_space<vmem>>, vector<1x1x64x512xf32>,
    %mul3A_289 = arith.mulf %get3A_179, %mul3A_257 : vector<64x512xf32>
    %swap3A_290 = arith.constant 3 : index
    %swap3A_291 = arith.constant 0 : index
    %swap3A_292 = arith.constant 0 : index
    %swap3A_293 = arith.constant 0 : index
    %swap3A_294 = vector.load %arg4[%swap3A_290, %swap3A_291, %swap3A_292, %swap3A_293] : memref<6x4x64x512xf32, #tpu.memory_space<vmem>>, vector<1x1x64x512xf32>
    %swap3A_295 = vector.shape_cast %swap3A_294 : vector<1x1x64x512xf32> to vector<64x512xf32>
    %swap3A_296 = vector.shape_cast %mul3A_289 : vector<64x512xf32> to vector<1x1x64x512xf32>
    tpu.vector_store %arg4[%swap3A_290, %swap3A_291, %swap3A_292, %swap3A_293], %swap3A_296 {strides = array<i32>} : memref<6x4x64x512xf32, #tpu.memory_space<vmem>>, vector<1x1x64x512xf32>,
    %mul3A_297 = arith.mulf %get3A_179, %mul3A_258 : vector<64x512xf32>
    %swap3A_298 = arith.constant 3 : index
    %swap3A_299 = arith.constant 1 : index
    %swap3A_300 = arith.constant 0 : index
    %swap3A_301 = arith.constant 0 : index
    %swap3A_302 = vector.load %arg4[%swap3A_298, %swap3A_299, %swap3A_300, %swap3A_301] : memref<6x4x64x512xf32, #tpu.memory_space<vmem>>, vector<1x1x64x512xf32>
    %swap3A_303 = vector.shape_cast %swap3A_302 : vector<1x1x64x512xf32> to vector<64x512xf32>
    %swap3A_304 = vector.shape_cast %mul3A_297 : vector<64x512xf32> to vector<1x1x64x512xf32>
    tpu.vector_store %arg4[%swap3A_298, %swap3A_299, %swap3A_300, %swap3A_301], %swap3A_304 {strides = array<i32>} : memref<6x4x64x512xf32, #tpu.memory_space<vmem>>, vector<1x1x64x512xf32>,
    %mul3A_305 = arith.mulf %get3A_179, %mul3A_259 : vector<64x512xf32>
    %swap3A_306 = arith.constant 3 : index
    %swap3A_307 = arith.constant 2 : index
    %swap3A_308 = arith.constant 0 : index
    %swap3A_309 = arith.constant 0 : index
    %swap3A_310 = vector.load %arg4[%swap3A_306, %swap3A_307, %swap3A_308, %swap3A_309] : memref<6x4x64x512xf32, #tpu.memory_space<vmem>>, vector<1x1x64x512xf32>
    %swap3A_311 = vector.shape_cast %swap3A_310 : vector<1x1x64x512xf32> to vector<64x512xf32>
    %swap3A_312 = vector.shape_cast %mul3A_305 : vector<64x512xf32> to vector<1x1x64x512xf32>
    tpu.vector_store %arg4[%swap3A_306, %swap3A_307, %swap3A_308, %swap3A_309], %swap3A_312 {strides = array<i32>} : memref<6x4x64x512xf32, #tpu.memory_space<vmem>>, vector<1x1x64x512xf32>,
    %mul3A_313 = arith.mulf %get3A_179, %mul3A_260 : vector<64x512xf32>
    %swap3A_314 = arith.constant 3 : index
    %swap3A_315 = arith.constant 3 : index
    %swap3A_316 = arith.constant 0 : index
    %swap3A_317 = arith.constant 0 : index
    %swap3A_318 = vector.load %arg4[%swap3A_314, %swap3A_315, %swap3A_316, %swap3A_317] : memref<6x4x64x512xf32, #tpu.memory_space<vmem>>, vector<1x1x64x512xf32>
    %swap3A_319 = vector.shape_cast %swap3A_318 : vector<1x1x64x512xf32> to vector<64x512xf32>
    %swap3A_320 = vector.shape_cast %mul3A_313 : vector<64x512xf32> to vector<1x1x64x512xf32>
    tpu.vector_store %arg4[%swap3A_314, %swap3A_315, %swap3A_316, %swap3A_317], %swap3A_320 {strides = array<i32>} : memref<6x4x64x512xf32, #tpu.memory_space<vmem>>, vector<1x1x64x512xf32>,
    %get3A_321 = arith.constant 0 : index
    %get3A_322 = arith.constant 0 : index
    %get3A_323 = arith.constant 0 : index
    %get3A_324 = arith.constant 0 : index
    %get3A_325 = vector.load %arg2[%get3A_321, %get3A_322, %get3A_323, %get3A_324] : memref<1x3x64x512xf32, #tpu.memory_space<vmem>>, vector<1x1x64x512xf32>
    %get3A_326 = vector.shape_cast %get3A_325 : vector<1x1x64x512xf32> to vector<64x512xf32>
    %mul3A_327 = arith.constant 2.550000e+02 : f32
    %mul3A_328 = vector.broadcast %mul3A_327 : f32 to vector<64x512xf32>
    %mul3A_329 = arith.mulf %get3A_326, %mul3A_328 : vector<64x512xf32>
    %get3A_330 = arith.constant 0 : index
    %get3A_331 = arith.constant 2 : index
    %get3A_332 = arith.constant 0 : index
    %get3A_333 = arith.constant 0 : index
    %get3A_334 = vector.load %arg2[%get3A_330, %get3A_331, %get3A_332, %get3A_333] : memref<1x3x64x512xf32, #tpu.memory_space<vmem>>, vector<1x1x64x512xf32>
    %get3A_335 = vector.shape_cast %get3A_334 : vector<1x1x64x512xf32> to vector<64x512xf32>
    %mul3A_336 = arith.constant 2.550000e+02 : f32
    %mul3A_337 = vector.broadcast %mul3A_336 : f32 to vector<64x512xf32>
    %mul3A_338 = arith.mulf %get3A_335, %mul3A_337 : vector<64x512xf32>
    %get3A_339 = arith.constant 0 : index
    %get3A_340 = arith.constant 1 : index
    %get3A_341 = arith.constant 0 : index
    %get3A_342 = arith.constant 0 : index
    %get3A_343 = vector.load %arg2[%get3A_339, %get3A_340, %get3A_341, %get3A_342] : memref<1x3x64x512xf32, #tpu.memory_space<vmem>>, vector<1x1x64x512xf32>
    %get3A_344 = vector.shape_cast %get3A_343 : vector<1x1x64x512xf32> to vector<64x512xf32>
    %convert_element_type3A_345 = arith.fptosi %mul3A_329 : vector<64x512xf32> to vector<64x512xi32>
    %jit3A_346 = arith.constant 0 : i32
    %jit3A_347 = arith.constant 254 : i32
    %max3A_348 = vector.broadcast %jit3A_346 : i32 to vector<64x512xi32>
    %max3A_349 = arith.maxsi %max3A_348, %convert_element_type3A_345 : vector<64x512xi32>
    %min3A_350 = vector.broadcast %jit3A_347 : i32 to vector<64x512xi32>
    %min3A_351 = arith.minsi %min3A_350, %max3A_349 : vector<64x512xi32>
    %convert_element_type3A_352 = arith.fptosi %mul3A_338 : vector<64x512xf32> to vector<64x512xi32>
    %jit3A_353 = arith.constant 0 : i32
    %jit3A_354 = arith.constant 254 : i32
    %max3A_355 = vector.broadcast %jit3A_353 : i32 to vector<64x512xi32>
    %max3A_356 = arith.maxsi %max3A_355, %convert_element_type3A_352 : vector<64x512xi32>
    %min3A_357 = vector.broadcast %jit3A_354 : i32 to vector<64x512xi32>
    %min3A_358 = arith.minsi %min3A_357, %max3A_356 : vector<64x512xi32>
    %convert_element_type3A_359 = arith.sitofp %min3A_351 : vector<64x512xi32> to vector<64x512xf32>
    %sub3A_360 = arith.subf %mul3A_329, %convert_element_type3A_359 : vector<64x512xf32>
    %jit3A_361 = arith.constant 0.000000e+00 : f32
    %jit3A_362 = arith.constant 1.000000e+00 : f32
    %max3A_363 = vector.broadcast %jit3A_361 : f32 to vector<64x512xf32>
    %max3A_364 = arith.maximumf %max3A_363, %sub3A_360 : vector<64x512xf32>
    %min3A_365 = vector.broadcast %jit3A_362 : f32 to vector<64x512xf32>
    %min3A_366 = arith.minimumf %min3A_365, %max3A_364 : vector<64x512xf32>
    %convert_element_type3A_367 = arith.sitofp %min3A_358 : vector<64x512xi32> to vector<64x512xf32>
    %sub3A_368 = arith.subf %mul3A_338, %convert_element_type3A_367 : vector<64x512xf32>
    %jit3A_369 = arith.constant 0.000000e+00 : f32
    %jit3A_370 = arith.constant 1.000000e+00 : f32
    %max3A_371 = vector.broadcast %jit3A_369 : f32 to vector<64x512xf32>
    %max3A_372 = arith.maximumf %max3A_371, %sub3A_368 : vector<64x512xf32>
    %min3A_373 = vector.broadcast %jit3A_370 : f32 to vector<64x512xf32>
    %min3A_374 = arith.minimumf %min3A_373, %max3A_372 : vector<64x512xf32>
    %sub3A_375 = arith.constant 1.000000e+00 : f32
    %sub3A_376 = vector.broadcast %sub3A_375 : f32 to vector<64x512xf32>
    %sub3A_377 = arith.subf %sub3A_376, %min3A_366 : vector<64x512xf32>
    %sub3A_378 = arith.constant 1.000000e+00 : f32
    %sub3A_379 = vector.broadcast %sub3A_378 : f32 to vector<64x512xf32>
    %sub3A_380 = arith.subf %sub3A_379, %min3A_374 : vector<64x512xf32>
    %mul3A_381 = arith.constant 256 : i32
    %mul3A_382 = vector.broadcast %mul3A_381 : i32 to vector<64x512xi32>
    %mul3A_383 = arith.muli %min3A_358, %mul3A_382 : vector<64x512xi32>
    %add3A_384 = arith.addi %mul3A_383, %min3A_351 : vector<64x512xi32>
    %swap3A_385 = arith.constant 2 : index
    %swap3A_386 = arith.constant 0 : index
    %swap3A_387 = arith.constant 0 : index
    %swap3A_388 = arith.constant 0 : index
    %swap3A_389 = vector.load %arg3[%swap3A_385, %swap3A_386, %swap3A_387, %swap3A_388] : memref<3x4x64x512xi32, #tpu.memory_space<vmem>>, vector<1x1x64x512xi32>
    %swap3A_390 = vector.shape_cast %swap3A_389 : vector<1x1x64x512xi32> to vector<64x512xi32>
    %swap3A_391 = vector.shape_cast %add3A_384 : vector<64x512xi32> to vector<1x1x64x512xi32>
    tpu.vector_store %arg3[%swap3A_385, %swap3A_386, %swap3A_387, %swap3A_388], %swap3A_391 {strides = array<i32>} : memref<3x4x64x512xi32, #tpu.memory_space<vmem>>, vector<1x1x64x512xi32>,
    %add3A_392 = arith.constant 1 : i32
    %add3A_393 = vector.broadcast %add3A_392 : i32 to vector<64x512xi32>
    %add3A_394 = arith.addi %add3A_384, %add3A_393 : vector<64x512xi32>
    %swap3A_395 = arith.constant 2 : index
    %swap3A_396 = arith.constant 1 : index
    %swap3A_397 = arith.constant 0 : index
    %swap3A_398 = arith.constant 0 : index
    %swap3A_399 = vector.load %arg3[%swap3A_395, %swap3A_396, %swap3A_397, %swap3A_398] : memref<3x4x64x512xi32, #tpu.memory_space<vmem>>, vector<1x1x64x512xi32>
    %swap3A_400 = vector.shape_cast %swap3A_399 : vector<1x1x64x512xi32> to vector<64x512xi32>
    %swap3A_401 = vector.shape_cast %add3A_394 : vector<64x512xi32> to vector<1x1x64x512xi32>
    tpu.vector_store %arg3[%swap3A_395, %swap3A_396, %swap3A_397, %swap3A_398], %swap3A_401 {strides = array<i32>} : memref<3x4x64x512xi32, #tpu.memory_space<vmem>>, vector<1x1x64x512xi32>,
    %add3A_402 = arith.constant 256 : i32
    %add3A_403 = vector.broadcast %add3A_402 : i32 to vector<64x512xi32>
    %add3A_404 = arith.addi %add3A_384, %add3A_403 : vector<64x512xi32>
    %swap3A_405 = arith.constant 2 : index
    %swap3A_406 = arith.constant 2 : index
    %swap3A_407 = arith.constant 0 : index
    %swap3A_408 = arith.constant 0 : index
    %swap3A_409 = vector.load %arg3[%swap3A_405, %swap3A_406, %swap3A_407, %swap3A_408] : memref<3x4x64x512xi32, #tpu.memory_space<vmem>>, vector<1x1x64x512xi32>
    %swap3A_410 = vector.shape_cast %swap3A_409 : vector<1x1x64x512xi32> to vector<64x512xi32>
    %swap3A_411 = vector.shape_cast %add3A_404 : vector<64x512xi32> to vector<1x1x64x512xi32>
    tpu.vector_store %arg3[%swap3A_405, %swap3A_406, %swap3A_407, %swap3A_408], %swap3A_411 {strides = array<i32>} : memref<3x4x64x512xi32, #tpu.memory_space<vmem>>, vector<1x1x64x512xi32>,
    %add3A_412 = arith.constant 257 : i32
    %add3A_413 = vector.broadcast %add3A_412 : i32 to vector<64x512xi32>
    %add3A_414 = arith.addi %add3A_384, %add3A_413 : vector<64x512xi32>
    %swap3A_415 = arith.constant 2 : index
    %swap3A_416 = arith.constant 3 : index
    %swap3A_417 = arith.constant 0 : index
    %swap3A_418 = arith.constant 0 : index
    %swap3A_419 = vector.load %arg3[%swap3A_415, %swap3A_416, %swap3A_417, %swap3A_418] : memref<3x4x64x512xi32, #tpu.memory_space<vmem>>, vector<1x1x64x512xi32>
    %swap3A_420 = vector.shape_cast %swap3A_419 : vector<1x1x64x512xi32> to vector<64x512xi32>
    %swap3A_421 = vector.shape_cast %add3A_414 : vector<64x512xi32> to vector<1x1x64x512xi32>
    tpu.vector_store %arg3[%swap3A_415, %swap3A_416, %swap3A_417, %swap3A_418], %swap3A_421 {strides = array<i32>} : memref<3x4x64x512xi32, #tpu.memory_space<vmem>>, vector<1x1x64x512xi32>,
    %mul3A_422 = arith.mulf %sub3A_380, %sub3A_377 : vector<64x512xf32>
    %mul3A_423 = arith.mulf %sub3A_380, %min3A_366 : vector<64x512xf32>
    %mul3A_424 = arith.mulf %min3A_374, %sub3A_377 : vector<64x512xf32>
    %mul3A_425 = arith.mulf %min3A_374, %min3A_366 : vector<64x512xf32>
    %swap3A_426 = arith.constant 4 : index
    %swap3A_427 = arith.constant 0 : index
    %swap3A_428 = arith.constant 0 : index
    %swap3A_429 = arith.constant 0 : index
    %swap3A_430 = vector.load %arg4[%swap3A_426, %swap3A_427, %swap3A_428, %swap3A_429] : memref<6x4x64x512xf32, #tpu.memory_space<vmem>>, vector<1x1x64x512xf32>
    %swap3A_431 = vector.shape_cast %swap3A_430 : vector<1x1x64x512xf32> to vector<64x512xf32>
    %swap3A_432 = vector.shape_cast %mul3A_422 : vector<64x512xf32> to vector<1x1x64x512xf32>
    tpu.vector_store %arg4[%swap3A_426, %swap3A_427, %swap3A_428, %swap3A_429], %swap3A_432 {strides = array<i32>} : memref<6x4x64x512xf32, #tpu.memory_space<vmem>>, vector<1x1x64x512xf32>,
    %swap3A_433 = arith.constant 4 : index
    %swap3A_434 = arith.constant 1 : index
    %swap3A_435 = arith.constant 0 : index
    %swap3A_436 = arith.constant 0 : index
    %swap3A_437 = vector.load %arg4[%swap3A_433, %swap3A_434, %swap3A_435, %swap3A_436] : memref<6x4x64x512xf32, #tpu.memory_space<vmem>>, vector<1x1x64x512xf32>
    %swap3A_438 = vector.shape_cast %swap3A_437 : vector<1x1x64x512xf32> to vector<64x512xf32>
    %swap3A_439 = vector.shape_cast %mul3A_423 : vector<64x512xf32> to vector<1x1x64x512xf32>
    tpu.vector_store %arg4[%swap3A_433, %swap3A_434, %swap3A_435, %swap3A_436], %swap3A_439 {strides = array<i32>} : memref<6x4x64x512xf32, #tpu.memory_space<vmem>>, vector<1x1x64x512xf32>,
    %swap3A_440 = arith.constant 4 : index
    %swap3A_441 = arith.constant 2 : index
    %swap3A_442 = arith.constant 0 : index
    %swap3A_443 = arith.constant 0 : index
    %swap3A_444 = vector.load %arg4[%swap3A_440, %swap3A_441, %swap3A_442, %swap3A_443] : memref<6x4x64x512xf32, #tpu.memory_space<vmem>>, vector<1x1x64x512xf32>
    %swap3A_445 = vector.shape_cast %swap3A_444 : vector<1x1x64x512xf32> to vector<64x512xf32>
    %swap3A_446 = vector.shape_cast %mul3A_424 : vector<64x512xf32> to vector<1x1x64x512xf32>
    tpu.vector_store %arg4[%swap3A_440, %swap3A_441, %swap3A_442, %swap3A_443], %swap3A_446 {strides = array<i32>} : memref<6x4x64x512xf32, #tpu.memory_space<vmem>>, vector<1x1x64x512xf32>,
    %swap3A_447 = arith.constant 4 : index
    %swap3A_448 = arith.constant 3 : index
    %swap3A_449 = arith.constant 0 : index
    %swap3A_450 = arith.constant 0 : index
    %swap3A_451 = vector.load %arg4[%swap3A_447, %swap3A_448, %swap3A_449, %swap3A_450] : memref<6x4x64x512xf32, #tpu.memory_space<vmem>>, vector<1x1x64x512xf32>
    %swap3A_452 = vector.shape_cast %swap3A_451 : vector<1x1x64x512xf32> to vector<64x512xf32>
    %swap3A_453 = vector.shape_cast %mul3A_425 : vector<64x512xf32> to vector<1x1x64x512xf32>
    tpu.vector_store %arg4[%swap3A_447, %swap3A_448, %swap3A_449, %swap3A_450], %swap3A_453 {strides = array<i32>} : memref<6x4x64x512xf32, #tpu.memory_space<vmem>>, vector<1x1x64x512xf32>,
    %mul3A_454 = arith.mulf %get3A_344, %mul3A_422 : vector<64x512xf32>
    %swap3A_455 = arith.constant 5 : index
    %swap3A_456 = arith.constant 0 : index
    %swap3A_457 = arith.constant 0 : index
    %swap3A_458 = arith.constant 0 : index
    %swap3A_459 = vector.load %arg4[%swap3A_455, %swap3A_456, %swap3A_457, %swap3A_458] : memref<6x4x64x512xf32, #tpu.memory_space<vmem>>, vector<1x1x64x512xf32>
    %swap3A_460 = vector.shape_cast %swap3A_459 : vector<1x1x64x512xf32> to vector<64x512xf32>
    %swap3A_461 = vector.shape_cast %mul3A_454 : vector<64x512xf32> to vector<1x1x64x512xf32>
    tpu.vector_store %arg4[%swap3A_455, %swap3A_456, %swap3A_457, %swap3A_458], %swap3A_461 {strides = array<i32>} : memref<6x4x64x512xf32, #tpu.memory_space<vmem>>, vector<1x1x64x512xf32>,
    %mul3A_462 = arith.mulf %get3A_344, %mul3A_423 : vector<64x512xf32>
    %swap3A_463 = arith.constant 5 : index
    %swap3A_464 = arith.constant 1 : index
    %swap3A_465 = arith.constant 0 : index
    %swap3A_466 = arith.constant 0 : index
    %swap3A_467 = vector.load %arg4[%swap3A_463, %swap3A_464, %swap3A_465, %swap3A_466] : memref<6x4x64x512xf32, #tpu.memory_space<vmem>>, vector<1x1x64x512xf32>
    %swap3A_468 = vector.shape_cast %swap3A_467 : vector<1x1x64x512xf32> to vector<64x512xf32>
    %swap3A_469 = vector.shape_cast %mul3A_462 : vector<64x512xf32> to vector<1x1x64x512xf32>
    tpu.vector_store %arg4[%swap3A_463, %swap3A_464, %swap3A_465, %swap3A_466], %swap3A_469 {strides = array<i32>} : memref<6x4x64x512xf32, #tpu.memory_space<vmem>>, vector<1x1x64x512xf32>,
    %mul3A_470 = arith.mulf %get3A_344, %mul3A_424 : vector<64x512xf32>
    %swap3A_471 = arith.constant 5 : index
    %swap3A_472 = arith.constant 2 : index
    %swap3A_473 = arith.constant 0 : index
    %swap3A_474 = arith.constant 0 : index
    %swap3A_475 = vector.load %arg4[%swap3A_471, %swap3A_472, %swap3A_473, %swap3A_474] : memref<6x4x64x512xf32, #tpu.memory_space<vmem>>, vector<1x1x64x512xf32>
    %swap3A_476 = vector.shape_cast %swap3A_475 : vector<1x1x64x512xf32> to vector<64x512xf32>
    %swap3A_477 = vector.shape_cast %mul3A_470 : vector<64x512xf32> to vector<1x1x64x512xf32>
    tpu.vector_store %arg4[%swap3A_471, %swap3A_472, %swap3A_473, %swap3A_474], %swap3A_477 {strides = array<i32>} : memref<6x4x64x512xf32, #tpu.memory_space<vmem>>, vector<1x1x64x512xf32>,
    %mul3A_478 = arith.mulf %get3A_344, %mul3A_425 : vector<64x512xf32>
    %swap3A_479 = arith.constant 5 : index
    %swap3A_480 = arith.constant 3 : index
    %swap3A_481 = arith.constant 0 : index
    %swap3A_482 = arith.constant 0 : index
    %swap3A_483 = vector.load %arg4[%swap3A_479, %swap3A_480, %swap3A_481, %swap3A_482] : memref<6x4x64x512xf32, #tpu.memory_space<vmem>>, vector<1x1x64x512xf32>
    %swap3A_484 = vector.shape_cast %swap3A_483 : vector<1x1x64x512xf32> to vector<64x512xf32>
    %swap3A_485 = vector.shape_cast %mul3A_478 : vector<64x512xf32> to vector<1x1x64x512xf32>
    tpu.vector_store %arg4[%swap3A_479, %swap3A_480, %swap3A_481, %swap3A_482], %swap3A_485 {strides = array<i32>} : memref<6x4x64x512xf32, #tpu.memory_space<vmem>>, vector<1x1x64x512xf32>,
    return
  }
  func.func @transform_0(%arg0: i32, %arg1: i32) -> (i32, i32, i32, i32) {
    %c0_i32 = arith.constant 0 : i32
    %c0_i32_0 = arith.constant 0 : i32
    %c0_i32_1 = arith.constant 0 : i32
    return %arg0, %c0_i32, %arg1, %c0_i32_0 : i32, i32, i32, i32
  }
  func.func @transform_1(%arg0: i32, %arg1: i32) -> (i32, i32, i32, i32) {
    %c0_i32 = arith.constant 0 : i32
    %c0_i32_0 = arith.constant 0 : i32
    %c0_i32_1 = arith.constant 0 : i32
    return %arg0, %c0_i32, %arg1, %c0_i32_0 : i32, i32, i32, i32
  }
  func.func @transform_2(%arg0: i32, %arg1: i32) -> (i32, i32, i32, i32) {
    %c0_i32 = arith.constant 0 : i32
    %c0_i32_0 = arith.constant 0 : i32
    %c0_i32_1 = arith.constant 0 : i32
    return %arg0, %c0_i32, %arg1, %c0_i32_0 : i32, i32, i32, i32
  }
}

module attributes {stable_mosaic.version = 14 : i64} {
  func.func @_finalize_kernel(%arg0: i32, %arg1: memref<1x2x4x512x128xf32, #tpu.memory_space<vmem>>, %arg2: memref<1x2x4x512x128xf32, #tpu.memory_space<vmem>>, %arg3: memref<1x2x512x128xf32, #tpu.memory_space<vmem>>, %arg4: memref<1x512x128xf32, #tpu.memory_space<vmem>>) attributes {dimension_semantics = [#tpu.dimension_semantics<arbitrary>], iteration_bounds = array<i64: 12>, scalar_prefetch = 0 : i64, scratch_operands = 0 : i64, tpu.core_type = #tpu.core_type<tc>, window_params = [{transform_indices = @transform_0, window_bounds = array<i64: 1, 2, 4, 512, 128>}, {transform_indices = @transform_1, window_bounds = array<i64: 1, 2, 4, 512, 128>}, {transform_indices = @transform_2, window_bounds = array<i64: 1, 2, 512, 128>}, {transform_indices = @transform_3, window_bounds = array<i64: 1, 512, 128>}]} {
    %get3A = arith.constant 0 : index
    %get3A_0 = arith.constant 0 : index
    %get3A_1 = arith.constant 0 : index
    %get3A_2 = arith.constant 0 : index
    %get3A_3 = arith.constant 0 : index
    %get3A_4 = vector.load %arg1[%get3A, %get3A_0, %get3A_1, %get3A_2, %get3A_3] : memref<1x2x4x512x128xf32, #tpu.memory_space<vmem>>, vector<1x1x4x512x128xf32>
    %get3A_5 = vector.shape_cast %get3A_4 : vector<1x1x4x512x128xf32> to vector<4x512x128xf32>
    %reduce_sum3A = arith.constant dense<0.000000e+00> : vector<512x128xf32>
    %reduce_sum3A_6 = vector.multi_reduction <add>, %get3A_5, %reduce_sum3A [0] : vector<4x512x128xf32> to vector<512x128xf32>
    %get3A_7 = arith.constant 0 : index
    %get3A_8 = arith.constant 1 : index
    %get3A_9 = arith.constant 0 : index
    %get3A_10 = arith.constant 0 : index
    %get3A_11 = arith.constant 0 : index
    %get3A_12 = vector.load %arg2[%get3A_7, %get3A_8, %get3A_9, %get3A_10, %get3A_11] : memref<1x2x4x512x128xf32, #tpu.memory_space<vmem>>, vector<1x1x4x512x128xf32>
    %get3A_13 = vector.shape_cast %get3A_12 : vector<1x1x4x512x128xf32> to vector<4x512x128xf32>
    %reduce_sum3A_14 = arith.constant dense<0.000000e+00> : vector<512x128xf32>
    %reduce_sum3A_15 = vector.multi_reduction <add>, %get3A_13, %reduce_sum3A_14 [0] : vector<4x512x128xf32> to vector<512x128xf32>
    %max3A = arith.constant 9.99999997E-7 : f32
    %max3A_16 = vector.broadcast %max3A : f32 to vector<512x128xf32>
    %max3A_17 = arith.maximumf %reduce_sum3A_6, %max3A_16 : vector<512x128xf32>
    %div3A = arith.divf %reduce_sum3A_15, %max3A_17 : vector<512x128xf32>
    %swap3A = arith.constant 0 : index
    %swap3A_18 = arith.constant 0 : index
    %swap3A_19 = arith.constant 0 : index
    %swap3A_20 = arith.constant 0 : index
    %swap3A_21 = vector.load %arg3[%swap3A, %swap3A_18, %swap3A_19, %swap3A_20] : memref<1x2x512x128xf32, #tpu.memory_space<vmem>>, vector<1x1x512x128xf32>
    %swap3A_22 = vector.shape_cast %swap3A_21 : vector<1x1x512x128xf32> to vector<512x128xf32>
    %swap3A_23 = vector.shape_cast %div3A : vector<512x128xf32> to vector<1x1x512x128xf32>
    tpu.vector_store %arg3[%swap3A, %swap3A_18, %swap3A_19, %swap3A_20], %swap3A_23 {strides = array<i32>} : memref<1x2x512x128xf32, #tpu.memory_space<vmem>>, vector<1x1x512x128xf32>,
    %gt3A = arith.constant 0.000000e+00 : f32
    %gt3A_24 = vector.broadcast %gt3A : f32 to vector<512x128xf32>
    %gt3A_25 = arith.cmpf ogt, %reduce_sum3A_6, %gt3A_24 : vector<512x128xf32>
    %convert_element_type3A = arith.extui %gt3A_25 : vector<512x128xi1> to vector<512x128xi32>
    %convert_element_type3A_26 = arith.sitofp %convert_element_type3A : vector<512x128xi32> to vector<512x128xf32>
    %swap3A_27 = arith.constant 0 : index
    %swap3A_28 = arith.constant 1 : index
    %swap3A_29 = arith.constant 0 : index
    %swap3A_30 = arith.constant 0 : index
    %swap3A_31 = vector.load %arg3[%swap3A_27, %swap3A_28, %swap3A_29, %swap3A_30] : memref<1x2x512x128xf32, #tpu.memory_space<vmem>>, vector<1x1x512x128xf32>
    %swap3A_32 = vector.shape_cast %swap3A_31 : vector<1x1x512x128xf32> to vector<512x128xf32>
    %swap3A_33 = vector.shape_cast %convert_element_type3A_26 : vector<512x128xf32> to vector<1x1x512x128xf32>
    tpu.vector_store %arg3[%swap3A_27, %swap3A_28, %swap3A_29, %swap3A_30], %swap3A_33 {strides = array<i32>} : memref<1x2x512x128xf32, #tpu.memory_space<vmem>>, vector<1x1x512x128xf32>,
    %swap3A_34 = arith.constant 0 : index
    %swap3A_35 = arith.constant 0 : index
    %swap3A_36 = arith.constant 0 : index
    %swap3A_37 = vector.load %arg4[%swap3A_34, %swap3A_35, %swap3A_36] : memref<1x512x128xf32, #tpu.memory_space<vmem>>, vector<1x512x128xf32>
    %swap3A_38 = vector.shape_cast %swap3A_37 : vector<1x512x128xf32> to vector<512x128xf32>
    %swap3A_39 = vector.shape_cast %reduce_sum3A_6 : vector<512x128xf32> to vector<1x512x128xf32>
    tpu.vector_store %arg4[%swap3A_34, %swap3A_35, %swap3A_36], %swap3A_39 {strides = array<i32>} : memref<1x512x128xf32, #tpu.memory_space<vmem>>, vector<1x512x128xf32>,
    return
  }
  func.func @transform_0(%arg0: i32) -> (i32, i32, i32, i32, i32) {
    %c0_i32 = arith.constant 0 : i32
    %c0_i32_0 = arith.constant 0 : i32
    %c0_i32_1 = arith.constant 0 : i32
    %c0_i32_2 = arith.constant 0 : i32
    %c0_i32_3 = arith.constant 0 : i32
    return %arg0, %c0_i32, %c0_i32_0, %c0_i32_1, %c0_i32_2 : i32, i32, i32, i32, i32
  }
  func.func @transform_1(%arg0: i32) -> (i32, i32, i32, i32, i32) {
    %c0_i32 = arith.constant 0 : i32
    %c0_i32_0 = arith.constant 0 : i32
    %c0_i32_1 = arith.constant 0 : i32
    %c0_i32_2 = arith.constant 0 : i32
    %c0_i32_3 = arith.constant 0 : i32
    return %arg0, %c0_i32, %c0_i32_0, %c0_i32_1, %c0_i32_2 : i32, i32, i32, i32, i32
  }
  func.func @transform_2(%arg0: i32) -> (i32, i32, i32, i32) {
    %c0_i32 = arith.constant 0 : i32
    %c0_i32_0 = arith.constant 0 : i32
    %c0_i32_1 = arith.constant 0 : i32
    %c0_i32_2 = arith.constant 0 : i32
    return %arg0, %c0_i32, %c0_i32_0, %c0_i32_1 : i32, i32, i32, i32
  }
  func.func @transform_3(%arg0: i32) -> (i32, i32, i32) {
    %c0_i32 = arith.constant 0 : i32
    %c0_i32_0 = arith.constant 0 : i32
    %c0_i32_1 = arith.constant 0 : i32
    return %arg0, %c0_i32, %c0_i32_0 : i32, i32, i32
  }
}

</mosaic_0001>

<sc_bundles>
// kernel: kernel.5.cloned.1.call-start
scs
__scs_entry_jumppad:
0x0: {  	(pc) =	sbr.rel $0x88, $3  }
0x1: {  	(tag) =	ssettag $0x0;
	lr =	simm.s32 $0x1  }
0x2: {  	[smem:$0x3FA0] =	sst lr;
	_ =	strace $0xD0000000  }
0x3: {  	_ = 	snop  }
0x4: {  	_ = 	snop  }
0x5: {  	_ = 	snop  }
0x6: {  	_ = 	snop  }
0x7: {  	_ = 	snop  }
__scs_overlays_trampoline_lowered:
0x8: {  	[smem:$0x3FAF] =	sst s0  }
0x9: {  	[smem:$0x3FB0] =	sst s1  }
0xa: {  	[smem:$0x3FB1] =	sst s2  }
0xb: {  	[smem:$0x3FB2] =	sst s3  }
0xc: {  	[smem:$0x3FB3] =	sst s4  }
0xd: {  	[smem:$0x3FB4] =	sst s5  }
0xe: {  	[smem:$0x3FB5] =	sst s6  }
0xf: {  	[smem:$0x3FB6] =	sst s7  }
0x10: {  	[smem:$0x3FB7] =	sst s8  }
0x11: {  	[smem:$0x3FB8] =	sst s9;
	s0 =	simm.s32 @!p0 $0x0  }
0x12: {  	s1 =	sld [smem:$0x3F9E];
	s0 =	simm.s32 @p0 $0x1  }
0x13: {  	[smem:$0x3FB9] =	sst s0;
	s0 =	simm.s32 @!p1 $0x0  }
0x14: {  	s2 =	sld [smem:$0x3F9D];
	s0 =	simm.s32 @p1 $0x1  }
0x15: {  	[smem:$0x3FBA] =	sst s0;
	s0 =	simm.s32 @!p2 $0x0  }
0x16: {  	s3 =	sld [smem:$0x3FDB];
	s0 =	simm.s32 @p2 $0x1  }
0x17: {  	s4 =	simm.s32 $0x1BF5;
	[smem:$0x3FBC] =	sst s0  }
0x18: {  	s0 =	sld [smem:$0x3F9F];
	_ =	swait.ge [sflag:s4], $0x0  }
0x19: {  	s7 =	sld [smem:$0x3FA0]  }
0x1a: {  	s8 =	sadd.s32 $0xFFFFE003, lr  }
0x1b: {  	s9 =	sadd.s32 $0xFFFFFEF7, lr;
	s5 =	simm.s32 $0xFFFFFFFF;
	p2 =	slt.u32 s8, $0xFFFFF086  }
0x1c: {  	p1 =	slt.u32 s9, $0xF7A;
	s5 =	simm.s32 @!p2 $0x0  }
0x1d: {  	s5 =	simm.s32 @p1 $0x1;
	p0 =	seq.s32 s7, s2  }
0x1e: {  	s7 =	smul.u32 @!p0 $0xF7A, s2;
	p2 =	seq.s32 @!p0 s5, $0x0  }
0x1f: {  	s9 =	smul.u32 $0xF7A, s1;
	s8 =	simm.s32 @!p0 $0x1BF5;
	p2 =	por !p2, p0  }
0x20: {  	[sflag:s8] =	ssyncset.s32 @!p0 $0xFFFFF086;
	s6 =	sadd.s32 @!p0 s3, s7;
	s7 =	simm.s32 @!p0 $0x108  }
0x21: {  	s3 =	sadd.s32 s3, s9;
	s6 =	sadd.s32 @!p0 $0x88, s6;
	s7 =	simm.s32 @p2 $0x1082  }
0x22: {  	[simem:s7], [sflag:s8] =	dma.local @!p0 [hbm:s6], $0xF7A  }
0x23: {  	s9 =	sor.u32 $0xD0000000, s2;
	s6 =	simm.s32 $0x108;
	_ =	swait.ge @!p0 [sflag:s8], $0x0  }
0x24: {  	s3 =	sadd.s32 $0x88, s3;
	s6 =	simm.s32 @!p1 $0x1082;
	[sflag:s4] =	ssyncset.s32 $0xFFFFF086  }
0x25: {  	[simem:s6], [sflag:s4] =	dma.local [hbm:s3], $0xF7A  }
0x26: {  	[smem:$0x3FA0] =	sst s1;
	(tag) =	ssettag s2;
	_ =	strace s9  }
0x27: {  	s1 =	sld [smem:$0x3FB0]  }
0x28: {  	s2 =	sld [smem:$0x3FB1]  }
0x29: {  	s4 =	sld [smem:$0x3FB3]  }
0x2a: {  	p0 =	seq.s32 s5, $0x0;
	s5 =	sld [smem:$0x3FB4]  }
0x2b: {  	s6 =	sld [smem:$0x3FB5]  }
0x2c: {  	s7 =	sld [smem:$0x3FB6]  }
0x2d: {  	s3 =	simm.s32 $0x108;
	s8 =	sld [smem:$0x3FB7]  }
0x2e: {  	s3 =	simm.s32 @!p0 $0x1082;
	s9 =	sld [smem:$0x3FB8]  }
0x2f: {  	lr =	sadd.s32 s0, s3;
	s0 =	sld [smem:$0x3FAF]  }
0x30: {  	s3 =	sld [smem:$0x3FB2]  }
0x31: {  	[smem:$0x3FBB] =	sst s10  }
0x32: {  	s10 =	sld [smem:$0x3FB9];
	_ =	sdelay $0x3  }
0x33: {  	p0 =	seq.s32 s10, $0x1;
	s10 =	sld [smem:$0x3FBB];
	_ =	sdelay $0x3  }
0x34: {  	[smem:$0x3FBB] =	sst s10  }
0x35: {  	s10 =	sld [smem:$0x3FBA];
	_ =	sdelay $0x3  }
0x36: {  	p1 =	seq.s32 s10, $0x1;
	s10 =	sld [smem:$0x3FBB];
	_ =	sdelay $0x3  }
0x37: {  	[smem:$0x3FBB] =	sst s10  }
0x38: {  	s10 =	sld [smem:$0x3FBC]  }
0x39: {  	_ = 	snop;
	(pc) =	sbr.ind lr, $3  }
0x3a: {  	_ = 	snop  }
0x3b: {  	_ = 	snop  }
0x3c: {  	p2 =	seq.s32 s10, $0x1;
	s10 =	sld [smem:$0x3FBB]  }
0x3d: {  	_ =	shalt  }
0x3e: {  	_ =	shalt  }
0x3f: {  	_ =	shalt  }
0x40: {  	_ =	shalt  }
0x41: {  	_ =	shalt  }
0x42: {  	_ =	shalt  }
0x43: {  	_ =	shalt  }
0x44: {  	_ =	shalt  }
0x45: {  	_ =	shalt  }
0x46: {  	_ =	shalt  }
0x47: {  	_ =	shalt  }
0x48: {  	_ =	shalt  }
0x49: {  	_ =	shalt  }
0x4a: {  	_ =	shalt  }
0x4b: {  	_ =	shalt  }
0x4c: {  	_ =	shalt  }
0x4d: {  	_ =	shalt  }
0x4e: {  	_ =	shalt  }
0x4f: {  	_ =	shalt  }
0x50: {  	_ =	shalt  }
0x51: {  	_ =	shalt  }
0x52: {  	_ =	shalt  }
0x53: {  	_ =	shalt  }
0x54: {  	_ =	shalt  }
0x55: {  	_ =	shalt  }
0x56: {  	_ =	shalt  }
0x57: {  	_ =	shalt  }
0x58: {  	_ =	shalt  }
0x59: {  	_ =	shalt  }
0x5a: {  	_ =	shalt  }
0x5b: {  	_ =	shalt  }
0x5c: {  	_ =	shalt  }
0x5d: {  	_ =	shalt  }
0x5e: {  	_ =	shalt  }
0x5f: {  	_ =	shalt  }
0x60: {  	_ =	shalt  }
0x61: {  	_ =	shalt  }
0x62: {  	_ =	shalt  }
0x63: {  	_ =	shalt  }
0x64: {  	_ =	shalt  }
0x65: {  	_ =	shalt  }
0x66: {  	_ =	shalt  }
0x67: {  	_ =	shalt  }
0x68: {  	_ =	shalt  }
0x69: {  	_ =	shalt  }
0x6a: {  	_ =	shalt  }
0x6b: {  	_ =	shalt  }
0x6c: {  	_ =	shalt  }
0x6d: {  	_ =	shalt  }
0x6e: {  	_ =	shalt  }
0x6f: {  	_ =	shalt  }
0x70: {  	_ =	shalt  }
0x71: {  	_ =	shalt  }
0x72: {  	_ =	shalt  }
0x73: {  	_ =	shalt  }
0x74: {  	_ =	shalt  }
0x75: {  	_ =	shalt  }
0x76: {  	_ =	shalt  }
0x77: {  	_ =	shalt  }
0x78: {  	_ =	shalt  }
0x79: {  	_ =	shalt  }
0x7a: {  	_ =	shalt  }
0x7b: {  	_ =	shalt  }
0x7c: {  	_ =	shalt  }
0x7d: {  	_ =	shalt  }
0x7e: {  	_ =	shalt  }
0x7f: {  	_ =	shalt  }
0x80: {  	_ =	shalt  }
0x81: {  	_ =	shalt  }
0x82: {  	_ =	shalt  }
0x83: {  	_ =	shalt  }
0x84: {  	_ =	shalt  }
0x85: {  	_ =	shalt  }
0x86: {  	_ =	shalt  }
0x87: {  	_ =	shalt  }
.Lfunc_end0:
.L_simem_size_0:
called_computation_lowered:
.L_overlay_start_0:
0x88: {  	s2 =	sld [smem:$0x3FD9]  }
0x89: {  	s3 =	sld [smem:$0x3FFE];
	_ =	sdelay $0x1  }
0x8a: {  	s1 =	srdreg.scid  }
0x8b: {  	s0 =	sand.u32 $0x1, s1  }
0x8c: {  	s14 =	sshll.u32 s0, $0xA;
	s2 =	sadd.s32 s3, s2  }
0x8d: {  	s2 =	sadd.s32 s2, s14  }
0x8e: {  	[smem:$0x3FC7] =	sst s2  }
0x8f: {  	_ = 	snop  }
0x90: {  	s2 =	sld [smem:$0x3FD0];
	_ =	sdelay $0x2  }
0x91: {  	s15 =	simm.s32 $0xA;
	s4 =	simm.s32 $0x10  }
0x92: {  	[smem:s4], [sflag:s15] =	dma.local [hbm:s2], $0x1  }
0x93: {  	_ =	swait.eq [sflag:s15], $0x1  }
0x94: {  	[sflag:s15] =	ssyncset.done $0x0  }
0x95: {  	[sflag:s15] =	ssyncadd.s32 $0xFFFFFFFF  }
0x96: {  	s16 =	sld [smem:$0x13];
	(tm) =	ssettm $0x1  }
0x97: {  	s17 =	sld [smem:$0x3FFB];
	_ =	sdelay $0x3  }
0x98: {  	_ =	strace s17  }
0x99: {  	s3 =	sld [smem:$0x3FFC];
	_ =	sdelay $0x3  }
0x9a: {  	_ =	strace s3  }
0x9b: {  	s3 =	sld [smem:$0x3FFD];
	_ =	sdelay $0x3  }
0x9c: {  	_ =	strace s3  }
0x9d: {  	_ =	strace $0x8FFFFFFF  }
0x9e: {  	s18 =	sld [smem:$0x3FDB];
	_ =	sdelay $0x1  }
0x9f: {  	s19 =	simm.s32 $_scs_section_size  }
0xa0: {  	s5 =	simm.s32 $_size__tile_overlayer_lowered;
	s6 =	simm.s32 $_tile_overlayer_lowered  }
0xa1: {  	s22 =	simm.s32 $0x1BFF;
	s21 =	sshll.u32 s6, $0x1;
	s3 =	sadd.s32 s19, s18  }
0xa2: {  	s7 =	simm.s32 $0x0;
	s20 =	sshll.u32 s5, $0x1;
	s5 =	sadd.s32 s21, s3  }
0xa3: {  	[timem:s7], [sflag:s22] =	dma.local [hbm:s5], s20  }
0xa4: {  	_ =	swait.ge [sflag:s22], s20  }
0xa5: {  	s4 =	ssub.s32 $0x0, s20;
	[sflag:s22] =	ssyncset.done $0x0  }
0xa6: {  	[sflag:s22] =	ssyncadd.s32 s4;
	_ =	sdelay $0x1  }
0xa7: {  	s23 =	simm.s32 $0x1B8B  }
0xa8: {  	_ =	swait.ge [sflag:s23], $0x1  }
0xa9: {  	[sflag:s23] =	ssyncset.done $0x0  }
0xaa: {  	s25 =	simm.s32 $0x1B8E;
	s24 =	sld [smem:$0x3FFE];
	[sflag:s23] =	ssyncadd.s32 $0xFFFFFFFF  }
0xab: {  	s26 =	simm.s32 $execute0_lowered;
	[smem:$0x3FD2] =	sst s25  }
0xac: {  	s5 =	sshll.u32 s26, $0x1;
	_ =	strace $0x80000046;
	[dreg:$0x1] =	wrdreg $0xFFFFFFFF  }
0xad: {  	s28 =	simm.s32 $_size_execute0_lowered;
	s3 =	sadd.s32 s3, s5;
	[dreg:$0x0] =	wrdreg $0x0  }
0xae: {  	s5 =	sshll.u32 s28, $0x1;
	[dreg:$0x2] =	wrdreg s3  }
0xaf: {  	[dreg:$0x3] =	wrdreg s5  }
0xb0: {  	[dreg:$0x4] =	wrdreg $0xC0  }
0xb1: {  	_ =	task [dreg:s7], $0x5FFFF  }
0xb2: {  	[dreg:$0x1] =	wrdreg $0xFFFFFFFF  }
0xb3: {  	[dreg:$0x0] =	wrdreg $0x60  }
0xb4: {  	[dreg:$0x2] =	wrdreg s24  }
0xb5: {  	[dreg:$0x3] =	wrdreg s16  }
0xb6: {  	[dreg:$0x4] =	wrdreg $0x9  }
0xb7: {  	_ =	task.clear_ibuf [dreg:s7], $0x5FFFF;
	_ =	strace $0x90000046  }
0xb8: {  	s29 =	simm.s32 $0x9;
	_ =	strace $0x80000048  }
0xb9: {  	_ =	swait.ge [sflag:s29], $0x1  }
0xba: {  	[sflag:s29] =	ssyncadd.s32 $0xFFFFFFFF  }
0xbb: {  	_ =	strace $0x90000048  }
0xbc: {  	_ =	sfence  }
0xbd: {  	s30 =	sld [smem:$0x0];
	_ =	sdelay $0x2  }
0xbe: {  	s31 =	sshll.u32 s1, $0xD;
	s1 =	sshrl.u32 s1, $0x2  }
0xbf: {  	s3 =	sand.u32 $0x4000, s31;
	s1 =	sadd.s32 s1, s30  }
0xc0: {  	s0 =	sor.u32 s3, s0;
	s1 =	sshll.u32 s1, $0x11  }
0xc1: {  	s0 =	sor.u32 s1, s0  }
0xc2: {  	s0 =	sadd.s32 $0x8F2B, s0  }
0xc3: {  	[sflag:s0] =	ssyncadd.remote.s32 $0x1  }
0xc4: {  	_ =	sfence.sel $0xFFFF  }
0xc5: {  	[dreg:$0x0] =	wrdreg $0xFFFFFFFF;
	(pc) =	sbr.abs _section_cstart, $3  }
0xc6: {  	[dreg:$0x1] =	wrdreg $0xFFFFFFFF  }
0xc7: {  	_ =	task.clear_ibuf [dreg:s7], $0x2FFFF;
	_ =	strace $0x9FFFFFFF  }
0xc8: {  	(tm) =	ssettm $0x7FFFFFFF  }
0xc9: {  	_ =	shalt  }
tec
execute0_lowered:
.L_overlay_start_1:
0x0: {  	(tag) =	ssettag $0x1  }
0x1: {  	s6 =	rddreg [dreg:$0x0]  }
0x2: {  	s1 =	rddreg [dreg:$0x1]  }
0x3: {  	s0 =	rddreg [dreg:$0x2];
	s2 =	simm.s32 $0x0  }
0x4: {  	s3 =	srdreg.scid;
	s11 =	simm.s32 $0x3;
	s12 =	simm.s32 $0x12000  }
0x5: {  	s13 =	simm.s32 $0x16000;
	s14 =	simm.s32 $0x1;
	s15 =	simm.s32 $0x2  }
0x6: {  	s16 =	simm.s32 $0x4;
	s17 =	simm.s32 $0x0;
	[smem:$0x7FF] =	sst s2  }
0x7: {  	s7 =	sand.u32 $0x1, s3;
	s3 =	stileid.u32;
	s4 =	sadd.s32 $0x600000, s6  }
0x8: {  	s5 =	sadd.s32 $0x300000, s6;
	s6 =	sadd.s32 $0x780000, s6;
	s8 =	ssub.s32 $0x2, s7  }
0x9: {  	_ =	strace $0x80000047;
	s10 =	sshll.u32 s3, $0x1;
	s9 =	sshrl.u32 s8, $0x1  }
0xa: {  	s7 =	sor.u32 s7, s10;
	s10 =	simm.s32 $0x14000;
	s8 =	ssub.s32 s8, s9  }
0xb: {  	s7 =	smul.u32 $0x3, s7;
	s9 =	simm.s32 $0x10000;
	s8 =	smax.u32 s8, $0x1  }
.LBB2_1:
0xc: {  	s18 =	simm.s32 $0x0  }
.LBB2_2:
0xd: {  	s19 =	sadd.s32 s7, s18  }
0xe: {  	s21 =	sshrl.u32 s19, $0x3;
	s22 =	sshll.u32 s19, $0xB  }
0xf: {  	s20 =	sshll.u32 s21, $0xD;
	s23 =	sand.u32 $0x1800, s22  }
0x10: {  	s24 =	sshll.u32 s21, $0xE;
	s22 =	sand.u32 $0x2000, s22;
	s21 =	simm.s32 $0x0  }
0x11: {  	[tilespmem:s21], [sflag:$0x3] =	stream.linear.gather [hbm4b:s1+s21], $0x10000, $0x38;
	[tilespmem:$0x18000] =	vst v63  }
0x12: {  	s20 =	sor.u32 s23, s20;
	s22 =	sor.u32 s22, s24  }
0x13: {  	s29 =	sshll.u32 s20, $0x4;
	s22 =	sor.u32 s23, s22  }
0x14: {  	s30 =	sadd.s32 s4, s29;
	s31 =	sshll.u32 s22, $0x4  }
0x15: {  	[tilespmem:s9], [sflag:$0x1] =	stream.linear.gather [hbm4b:s30+s21], $0x2000, $0x38;
	[tilespmem:$0x18000] =	vst v63  }
0x16: {  	s23 =	sadd.s32 s5, s31  }
0x17: {  	[tilespmem:s10], [sflag:$0x1] =	stream.linear.gather [hbm4b:s23+s21], $0x2000, $0x38;
	[tilespmem:$0x18000] =	vst v63  }
0x18: {  	_ =	swait.ge [sflag:s11], $0x10000  }
0x19: {  	[sflag:s11] =	ssyncset.done $0x0  }
0x1a: {  	s23 =	simm.s32 $0x0;
	[sflag:s11] =	ssyncadd.s32 $0xFFFF0000  }
.LBB2_3:
0x1b: {  	s24 =	sshll.u32 s23, $0x7  }
0x1c: {  	s25 =	sor.u32 $0x40, s24  }
0x1d: {  	s26 =	sadd.s32 s20, s25  }
0x1e: {  	s25 =	sadd.s32 s22, s25;
	s26 =	sshll.u32 s26, $0x4  }
0x1f: {  	s25 =	sshll.u32 s25, $0x4;
	s26 =	sadd.s32 s4, s26  }
0x20: {  	[tilespmem:s12], [sflag:$0x2] =	stream.linear.gather [hbm4b:s26+s21], $0x2000, $0x38;
	[tilespmem:$0x18000] =	vst v63  }
0x21: {  	s25 =	sadd.s32 s5, s25  }
0x22: {  	[tilespmem:s13], [sflag:$0x2] =	stream.linear.gather [hbm4b:s25+s21], $0x2000, $0x38;
	[tilespmem:$0x18000] =	vst v63  }
0x23: {  	_ =	swait.ge [sflag:s14], $0x2000  }
0x24: {  	[sflag:s14] =	ssyncset.done $0x0  }
0x25: {  	[sflag:s14] =	ssyncadd.s32 $0xFFFFE000  }
0x26: {  	_ =	swait.ge [sflag:s14], $0x2000  }
0x27: {  	[sflag:s14] =	ssyncset.done $0x0  }
0x28: {  	s31 =	simm.s32 $0x0;
	[sflag:s14] =	ssyncadd.s32 $0xFFFFE000  }
0x29: {  	v4 =	vld [tilespmem:s31+$0x10050]  }
0x2a: {  	v5 =	vld [tilespmem:s31+$0x10020]  }
0x2b: {  	v6 =	vld [tilespmem:s31+$0x10030]  }
0x2c: {  	v7 =	vld [tilespmem:s31+$0x10040]  }
0x2d: {  	v8 =	vld [tilespmem:s31+$0x14010]  }
0x2e: {  	v9 =	vld [tilespmem:s31+$0x14000]  }
0x2f: {  	v10 =	vld [tilespmem:s31+$0x14020]  }
0x30: {  	v11 =	vld [tilespmem:s31+$0x10010]  }
0x31: {  	v12 =	vld [tilespmem:s31+$0x10000]  }
0x32: {  	v0 =	vld [tilespmem:s31+$0x10070]  }
0x33: {  	v13 =	vld [tilespmem:s31+$0x14030]  }
0x34: {  	v14 =	vld [tilespmem:s31+$0x14040]  }
0x35: {  	v15 =	vld [tilespmem:s31+$0x14050]  }
0x36: {  	v1 =	vld [tilespmem:s31+$0x14060]  }
0x37: {  	v3 =	vld [tilespmem:s31+$0x10060]  }
0x38: {  	v2 =	vld [tilespmem:s31+$0x14070]  }
0x39: {  	[tilespmem:v12+s2+$0x0] =	vst.idx.add.f32.msk $0xffff, v9  }
0x3a: {  	[tilespmem:v11+s2+$0x0] =	vst.idx.add.f32.msk $0xffff, v8  }
0x3b: {  	[tilespmem:v5+s2+$0x0] =	vst.idx.add.f32.msk $0xffff, v10  }
0x3c: {  	[tilespmem:v6+s2+$0x0] =	vst.idx.add.f32.msk $0xffff, v13  }
0x3d: {  	[tilespmem:v7+s2+$0x0] =	vst.idx.add.f32.msk $0xffff, v14  }
0x3e: {  	s25 =	simm.s32 $0x200;
	[tilespmem:v4+s2+$0x0] =	vst.idx.add.f32.msk $0xffff, v15  }
.LBB2_4:
0x3f: {  	s26 =	sshra.s32 s25, $0x2;
	p0 =	sne.s32 s25, $0x7E00;
	s25 =	sadd.s32 $0x200, s25;
	[tilespmem:v3+s2+$0x0] =	vst.idx.add.f32.msk $0xffff, v1  }
0x40: {  	[tilespmem:v0+s2+$0x0] =	vst.idx.add.f32.msk $0xffff, v2  }
0x41: {  	v4 =	vld [tilespmem:s26+$0x10050]  }
0x42: {  	v5 =	vld [tilespmem:s26+$0x10020]  }
0x43: {  	v6 =	vld [tilespmem:s26+$0x10030]  }
0x44: {  	v7 =	vld [tilespmem:s26+$0x10040]  }
0x45: {  	v8 =	vld [tilespmem:s26+$0x14010]  }
0x46: {  	v9 =	vld [tilespmem:s26+$0x14000]  }
0x47: {  	v10 =	vld [tilespmem:s26+$0x14020]  }
0x48: {  	v11 =	vld [tilespmem:s26+$0x10010]  }
0x49: {  	v12 =	vld [tilespmem:s26+$0x10000]  }
0x4a: {  	v0 =	vld [tilespmem:s26+$0x10070]  }
0x4b: {  	v13 =	vld [tilespmem:s26+$0x14030]  }
0x4c: {  	v14 =	vld [tilespmem:s26+$0x14040]  }
0x4d: {  	v15 =	vld [tilespmem:s26+$0x14050]  }
0x4e: {  	v1 =	vld [tilespmem:s26+$0x14060]  }
0x4f: {  	v3 =	vld [tilespmem:s26+$0x10060]  }
0x50: {  	v2 =	vld [tilespmem:s26+$0x14070]  }
0x51: {  	[tilespmem:v12+s2+$0x0] =	vst.idx.add.f32.msk $0xffff, v9  }
.Ltmp0:
0x52: {  	[tilespmem:v11+s2+$0x0] =	vst.idx.add.f32.msk $0xffff, v8;
	(pc) =	sbr.rel @p0 .LBB2_4-.Ltmp0, $4  }
0x53: {  	[tilespmem:v5+s2+$0x0] =	vst.idx.add.f32.msk $0xffff, v10  }
0x54: {  	[tilespmem:v6+s2+$0x0] =	vst.idx.add.f32.msk $0xffff, v13  }
0x55: {  	[tilespmem:v7+s2+$0x0] =	vst.idx.add.f32.msk $0xffff, v14  }
0x56: {  	[tilespmem:v4+s2+$0x0] =	vst.idx.add.f32.msk $0xffff, v15  }
0x57: {  	_ = 	snop  }
0x58: {  	p0 =	sgt.u32 s23, $0xE  }
0x59: {  	s24 =	sadd.s32 @!p0 $0x80, s24  }
0x5a: {  	s25 =	sadd.s32 @!p0 s20, s24  }
0x5b: {  	[tilespmem:v3+s2+$0x0] =	vst.idx.add.f32.msk $0xffff, v1;
	s26 =	simm.s32 @!p0 $0x0;
	s24 =	sadd.s32 @!p0 s22, s24;
	s25 =	sshll.u32 @!p0 s25, $0x4  }
0x5c: {  	[tilespmem:v0+s2+$0x0] =	vst.idx.add.f32.msk $0xffff, v2;
	s28 =	simm.s32 @!p0 $0x10000;
	s24 =	sshll.u32 @!p0 s24, $0x4;
	s25 =	sadd.s32 @!p0 s4, s25  }
0x5d: {  	[tilespmem:s28], [sflag:$0x1] =	stream.linear.gather @!p0 [hbm4b:s25+s26], $0x2000, $0x38;
	[tilespmem:$0x18000] =	vst v63  }
0x5e: {  	s24 =	sadd.s32 @!p0 s5, s24;
	s25 =	simm.s32 @!p0 $0x14000  }
0x5f: {  	[tilespmem:s25], [sflag:$0x1] =	stream.linear.gather @!p0 [hbm4b:s24+s26], $0x2000, $0x38;
	[tilespmem:$0x18000] =	vst v63  }
0x60: {  	_ =	swait.ge [sflag:s15], $0x2000  }
0x61: {  	[sflag:s15] =	ssyncset.done $0x0  }
0x62: {  	[sflag:s15] =	ssyncadd.s32 $0xFFFFE000  }
0x63: {  	_ =	swait.ge [sflag:s15], $0x2000  }
0x64: {  	[sflag:s15] =	ssyncset.done $0x0  }
0x65: {  	s31 =	simm.s32 $0x0;
	[sflag:s15] =	ssyncadd.s32 $0xFFFFE000  }
0x66: {  	v4 =	vld [tilespmem:s31+$0x12050]  }
0x67: {  	v5 =	vld [tilespmem:s31+$0x12020]  }
0x68: {  	v6 =	vld [tilespmem:s31+$0x12030]  }
0x69: {  	v7 =	vld [tilespmem:s31+$0x12040]  }
0x6a: {  	v8 =	vld [tilespmem:s31+$0x16010]  }
0x6b: {  	v9 =	vld [tilespmem:s31+$0x16000]  }
0x6c: {  	v10 =	vld [tilespmem:s31+$0x16020]  }
0x6d: {  	v11 =	vld [tilespmem:s31+$0x12010]  }
0x6e: {  	v12 =	vld [tilespmem:s31+$0x12000]  }
0x6f: {  	v0 =	vld [tilespmem:s31+$0x12070]  }
0x70: {  	v13 =	vld [tilespmem:s31+$0x16030]  }
0x71: {  	v14 =	vld [tilespmem:s31+$0x16040]  }
0x72: {  	v15 =	vld [tilespmem:s31+$0x16050]  }
0x73: {  	v1 =	vld [tilespmem:s31+$0x16060]  }
0x74: {  	v3 =	vld [tilespmem:s31+$0x12060]  }
0x75: {  	v2 =	vld [tilespmem:s31+$0x16070]  }
0x76: {  	[tilespmem:v12+s2+$0x0] =	vst.idx.add.f32.msk $0xffff, v9  }
0x77: {  	[tilespmem:v11+s2+$0x0] =	vst.idx.add.f32.msk $0xffff, v8  }
0x78: {  	[tilespmem:v5+s2+$0x0] =	vst.idx.add.f32.msk $0xffff, v10  }
0x79: {  	[tilespmem:v6+s2+$0x0] =	vst.idx.add.f32.msk $0xffff, v13  }
0x7a: {  	[tilespmem:v7+s2+$0x0] =	vst.idx.add.f32.msk $0xffff, v14  }
0x7b: {  	s24 =	simm.s32 $0x200;
	[tilespmem:v4+s2+$0x0] =	vst.idx.add.f32.msk $0xffff, v15  }
.LBB2_6:
0x7c: {  	s25 =	sshra.s32 s24, $0x2;
	p0 =	sne.s32 s24, $0x7E00;
	s24 =	sadd.s32 $0x200, s24;
	[tilespmem:v3+s2+$0x0] =	vst.idx.add.f32.msk $0xffff, v1  }
0x7d: {  	[tilespmem:v0+s2+$0x0] =	vst.idx.add.f32.msk $0xffff, v2  }
0x7e: {  	v4 =	vld [tilespmem:s25+$0x12050]  }
0x7f: {  	v5 =	vld [tilespmem:s25+$0x12020]  }
0x80: {  	v6 =	vld [tilespmem:s25+$0x12030]  }
0x81: {  	v7 =	vld [tilespmem:s25+$0x12040]  }
0x82: {  	v8 =	vld [tilespmem:s25+$0x16010]  }
0x83: {  	v9 =	vld [tilespmem:s25+$0x16000]  }
0x84: {  	v10 =	vld [tilespmem:s25+$0x16020]  }
0x85: {  	v11 =	vld [tilespmem:s25+$0x12010]  }
0x86: {  	v12 =	vld [tilespmem:s25+$0x12000]  }
0x87: {  	v0 =	vld [tilespmem:s25+$0x12070]  }
0x88: {  	v13 =	vld [tilespmem:s25+$0x16030]  }
0x89: {  	v14 =	vld [tilespmem:s25+$0x16040]  }
0x8a: {  	v15 =	vld [tilespmem:s25+$0x16050]  }
0x8b: {  	v1 =	vld [tilespmem:s25+$0x16060]  }
0x8c: {  	v3 =	vld [tilespmem:s25+$0x12060]  }
0x8d: {  	v2 =	vld [tilespmem:s25+$0x16070]  }
0x8e: {  	[tilespmem:v12+s2+$0x0] =	vst.idx.add.f32.msk $0xffff, v9  }
.Ltmp1:
0x8f: {  	[tilespmem:v11+s2+$0x0] =	vst.idx.add.f32.msk $0xffff, v8;
	(pc) =	sbr.rel @p0 .LBB2_6-.Ltmp1, $4  }
0x90: {  	[tilespmem:v5+s2+$0x0] =	vst.idx.add.f32.msk $0xffff, v10  }
0x91: {  	[tilespmem:v6+s2+$0x0] =	vst.idx.add.f32.msk $0xffff, v13  }
0x92: {  	[tilespmem:v7+s2+$0x0] =	vst.idx.add.f32.msk $0xffff, v14  }
0x93: {  	[tilespmem:v4+s2+$0x0] =	vst.idx.add.f32.msk $0xffff, v15  }
0x94: {  	s23 =	sadd.s32 $0x1, s23  }
0x95: {  	p0 =	sne.s32 s23, $0x10  }
.Ltmp2:
0x96: {  	_ = 	snop;
	(pc) =	sbr.rel @p0 .LBB2_3-.Ltmp2, $3  }
0x97: {  	_ =	sdelay $0x1  }
0x98: {  	[tilespmem:v3+s2+$0x0] =	vst.idx.add.f32.msk $0xffff, v1  }
0x99: {  	[tilespmem:v0+s2+$0x0] =	vst.idx.add.f32.msk $0xffff, v2  }
0x9a: {  	s18 =	sadd.s32 $0x1, s18  }
0x9b: {  	s19 =	sshll.u32 s19, $0xD;
	p0 =	sne.s32 s18, $0x3  }
.Ltmp3:
0x9c: {  	s19 =	sadd.s32 s6, s19;
	(pc) =	sbr.rel @p0 .LBB2_2-.Ltmp3, $4  }
0x9d: {  	[hbm4b:s19+s2] =	stream.linear.scatter [tilespmem:s2], [sflag:$0x4], $0x10000, $0x38;
	[tilespmem:$0x18000] =	vst v63  }
0x9e: {  	_ =	swait.ge [sflag:s16], $0x10000  }
0x9f: {  	[sflag:s16] =	ssyncset.done $0x0  }
0xa0: {  	[sflag:s16] =	ssyncadd.s32 $0xFFFF0000  }
0xa1: {  	s17 =	sadd.s32 $0x1, s17  }
0xa2: {  	p0 =	sne.s32 s17, s8  }
.Ltmp4:
0xa3: {  	_ = 	snop;
	(pc) =	sbr.rel @p0 .LBB2_1-.Ltmp4, $1  }
0xa4: {  	_ =	sdelay $0x3  }
0xa5: {  	_ =	sfence.sel $0x180000  }
0xa6: {  	[bflag:$0x0] =	sbarrier.arrive $0xFFFF  }
0xa7: {  	p0 =	sne.s32 s3, $0x0;
	_ =	strace $0x90000047  }
0xa8: {  	s0 =	sadd.s32 @!p0 $0x100000, s0;
	[bflag:$0x2] =	sbarrier.arrive $0xFFFF  }
0xa9: {  	[sflag:s0] =	ssyncadd.tile.s32 @!p0 $0x1;
	_ =	shalt  }
.Lfunc_end2:
_tile_overlayer_lowered:
.L_overlay_start_2:
0xaa: {  	(tag) =	ssettag $0x2  }
0xab: {  	s0 =	rddreg [dreg:$0x0];
	s2 =	stileid.u32  }
0xac: {  	s1 =	rddreg [dreg:$0x1];
	p0 =	sne.s32 s2, $0x0  }
0xad: {  	s3 =	rddreg [dreg:$0x2];
	[bflag:$0x3] =	sbarrier.arrive $0xFFFF;
	s2 =	simm.s32 @!p0 $0x1C04  }
0xae: {  	[timem:s3], [sflag:s2] =	dma.local @!p0 [hbm:s0], s1  }
0xaf: {  	s0 =	simm.s32 @!p0 $0x4  }
0xb0: {  	_ =	swait.ge @!p0 [sflag:s0], s1  }
0xb1: {  	s1 =	ssub.s32 @!p0 $0x0, s1;
	[sflag:s0] =	ssyncset.done @!p0 $0x0  }
0xb2: {  	[sflag:s0] =	ssyncadd.s32 @!p0 s1  }
0xb3: {  	[bflag:$0x3] =	sbarrier.arrive $0xFFFF  }
0xb4: {  	_ =	shalt  }

</sc_bundles>
